<compile_context>
chip_gen: v7x
topology: tpu7x:2x2x1
jax: 0.10.2.dev20260603
libtpu: 0.0.44.dev20260713+nightly
codegen_flags: <defaults>
</compile_context>

<pallas_src>
import functools

import jax
import jax.numpy as jnp
from jax import lax
from jax.experimental import pallas as pl
from jax.experimental.pallas import tpu as pltpu
from jax.experimental.pallas import tpu_sc as plsc

_LAG = 24
_QN = 64
_B = 32
_T = 8192
_TOUT = _T - _LAG + 1
_PADT = 8320
_NI = _T // 16 + 1
_TB = 8176

_mesh = plsc.VectorSubcoreMesh(core_axis_name="c", subcore_axis_name="s")

_HT = _T // 2
_HL = 4224
_HNI = (_HT + 32) // 16 + 1


def _make_sc_bins(h):
    @functools.partial(
        pl.kernel,
        out_type=jax.ShapeDtypeStruct((_B // 2, 1, _T), jnp.int32),
        mesh=_mesh,
        scratch_types=[
            pltpu.VMEM((_HT * 4 + 128,), jnp.float32),
            pltpu.VMEM((_HL,), jnp.float32),
            pltpu.VMEM((_HL,), jnp.float32),
            pltpu.VMEM((_HL,), jnp.float32),
            pltpu.VMEM((_HT,), jnp.int32),
        ],
        compiler_params=pltpu.CompilerParams(needs_layout_passes=False),
    )
    def _sc_bins_half(x_hbm, out_hbm, xr, xv, wa, wb, bv):
        wid = lax.axis_index("s") * 2 + lax.axis_index("c")
        b_loc = wid % 16
        h2 = wid // 16
        batch = h * 16 + b_loc
        t0w = h2 * _HT * 4
        iota = lax.iota(jnp.int32, 16)
        ninf = jnp.full((16,), -jnp.inf, dtype=jnp.float32)

        @pl.when(h2 == 0)
        def _():
            pltpu.sync_copy(x_hbm.at[batch, pl.ds(0, _HT * 4 + 128)],
                            xr.at[pl.ds(0, _HT * 4 + 128)])

        @pl.when(h2 == 1)
        def _():
            pltpu.sync_copy(x_hbm.at[batch, pl.ds(_HT * 4, _HT * 4)],
                            xr.at[pl.ds(0, _HT * 4)])

        def gbody(i, carry):
            b = i * 64
            for j in range(4):
                xv[pl.ds(b + j * 16, 16)] = plsc.load_gather(
                    xr, [(b + j * 16 + iota) * 4 + 1])
            return carry
        lax.fori_loop(0, _HT // 64, gbody, 0)
        for b in range(_HT, _HT + 32, 16):
            xv[pl.ds(b, 16)] = plsc.load_gather(xr, [(b + iota) * 4 + 1])

        for b in range(_HT + 32, _HL, 16):
            xv[pl.ds(b, 16)] = ninf
            wa[pl.ds(b, 16)] = ninf
            wb[pl.ds(b, 16)] = ninf

        def mpass(dst, src, off):
            def body(i, carry):
                b = i * 32
                dst[pl.ds(b, 16)] = jnp.maximum(src[pl.ds(b, 16)],
                                                src[pl.ds(b + off, 16)])
                dst[pl.ds(b + 16, 16)] = jnp.maximum(
                    src[pl.ds(b + 16, 16)], src[pl.ds(b + 16 + off, 16)])
                return carry
            lax.fori_loop(0, _HNI // 2 + 1, body, 0)

        mpass(wa, xv, 1)
        mpass(wb, wa, 2)
        mpass(wa, wb, 4)
        mpass(wb, wa, 8)

        def fbody(i, carry):
            for j in range(2):
                b = i * 32 + j * 16
                v = jnp.maximum(wb[pl.ds(b, 16)], wa[pl.ds(b + 16, 16)])
                u = jnp.clip((v + 2.0) * 16.0, -1.0, 64.0)
                c0 = (u + 1.0).astype(jnp.int32) - 1
                blo = c0.astype(jnp.float32) * 0.0625 - 2.0
                bhi = (c0 + 1).astype(jnp.float32) * 0.0625 - 2.0
                c = (c0 - (v < blo).astype(jnp.int32)
                     + (v >= bhi).astype(jnp.int32))
                bv[pl.ds(b, 16)] = jnp.clip(c, -1, 63)
            return carry
        lax.fori_loop(0, _HT // 32, fbody, 0)

        pltpu.sync_copy(bv, out_hbm.at[b_loc, 0, pl.ds(h2 * _HT, _HT)])

    return _sc_bins_half


_sc_bins_0 = _make_sc_bins(0)
_sc_bins_1 = _make_sc_bins(1)


def _tc_expand_body(bins_ref, out_ref):
    row = bins_ref[0, 0, :]
    c = lax.slice(row, (0,), (_TB,)).reshape(_TB, 1)
    col = lax.broadcasted_iota(jnp.int32, (1, _QN), 1)
    out_ref[0] = (c == col).astype(jnp.float32)


def _tc_expand_body_aliased(bins_ref, prev_ref, out_ref):
    del prev_ref
    _tc_expand_body(bins_ref, out_ref)


def _tc_expand_half(bins_h, h, prev=None):
    in_specs = [pl.BlockSpec((1, 1, _T), lambda b: (b, 0, 0))]
    inputs = [bins_h]
    kwargs = {}
    body = _tc_expand_body
    if prev is not None:
        in_specs.append(pl.BlockSpec(memory_space=pltpu.MemorySpace.HBM))
        inputs.append(prev)
        kwargs["input_output_aliases"] = {1: 0}
        body = _tc_expand_body_aliased
    return pl.pallas_call(
        body,
        out_shape=jax.ShapeDtypeStruct((_B, _TOUT, _QN), jnp.float32),
        grid=(_B // 2,),
        in_specs=in_specs,
        out_specs=pl.BlockSpec((1, _TB, _QN), lambda b: (h * 16 + b, 0, 0)),
        **kwargs,
    )(*inputs)


def kernel(inp):
    x = inp.reshape(_B, _T * 4)
    bins0 = _sc_bins_0(x)
    bins1 = _sc_bins_1(x)
    out = _tc_expand_half(bins0, 0)
    return _tc_expand_half(bins1, 1, prev=out)

# --- scband reference (transcript-rebuilt; emitter-appended) ---
"""Pipeline reference for scband-naive-past-64287070486997 (READ-ONLY COPY).

The authoritative reference and input builder live on the scoring server;
editing this copy changes nothing except your own understanding.
"""

import jax, jax.numpy as jnp
import numpy as np

LAG = 24
QUANT_N = 64
QUANT_RANGE = (-2.0, 2.0)
DEFLECTION_CHANNEL = 1


def setup_inputs(seed: int = 0) -> dict:
    key = jax.random.key(seed)
    inp = jax.random.normal(key, (32, 8192, 4), dtype=jnp.float32)
    return {"inp": inp}


def reference(inp):
    # bins = np.linspace(r0, r1, quant_n + 1)[:-1]  -> quant_n boundaries
    bins = jnp.asarray(np.linspace(QUANT_RANGE[0], QUANT_RANGE[1], QUANT_N + 1)[:-1], dtype=jnp.float32)
    # select deflection channel, keep last dim: [B, T, 1]
    x = inp[:, :, DEFLECTION_CHANNEL:DEFLECTION_CHANNEL + 1]
    # tf.nn.max_pool1d(ksize=lag, strides=1, padding='VALID') -> sliding-window max
    pooled = jax.lax.reduce_window(
        x,
        -jnp.inf,
        jax.lax.max,
        window_dimensions=(1, LAG, 1),
        window_strides=(1, 1, 1),
        padding='VALID',
    )
    # tf math_ops._bucketize: index = number of boundaries <= v  == searchsorted(side='right')
    binned = jnp.searchsorted(bins, pooled, side='right').astype(jnp.int32) - 1
    binned = jnp.squeeze(binned, axis=-1)
    # tf.one_hot: out-of-range indices (e.g. -1) produce all-zero rows; jax.nn.one_hot matches
    return jax.nn.one_hot(binned, QUANT_N, dtype=jnp.float32)

if __name__ == "__main__":
    import jax
    _d = setup_inputs()
    print(jax.jit(kernel)(*tuple(_d.values())))

</pallas_src>

<mosaic_0001>
#map = affine_map<(d0, d1) -> (0, 0)>
#map1 = affine_map<(d0, d1) -> (0, 0, 0)>
module attributes {stable_mosaic.version = 14 : i64} {
  func.func @_sc_bins_half(%arg0: i32, %arg1: i32, %arg2: memref<32x32768xf32, #tpu.memory_space<hbm>>, %arg3: memref<16x1x8192xi32, #tpu.memory_space<hbm>>, %arg4: memref<16512xf32, #tpu.memory_space<vmem>>, %arg5: memref<4224xf32, #tpu.memory_space<vmem>>, %arg6: memref<4224xf32, #tpu.memory_space<vmem>>, %arg7: memref<4224xf32, #tpu.memory_space<vmem>>, %arg8: memref<4096xi32, #tpu.memory_space<vmem>>) attributes {dimension_semantics = [#tpu.dimension_semantics<core_parallel>, #tpu.dimension_semantics<subcore_parallel>], iteration_bounds = array<i64: 2, 16>, scalar_prefetch = 0 : i64, scratch_operands = 5 : i64, tpu.core_type = #tpu.core_type<sc_vector_subcore>, window_params = [{transform_indices = #map}, {transform_indices = #map1}]} {
    %mul3A = arith.constant 2 : i32
    %mul3A_0 = arith.muli %arg1, %mul3A : i32
    %add3A = arith.addi %mul3A_0, %arg0 : i32
    %jit3A = arith.constant 16 : i32
    %eq3A = arith.constant 0 : i32
    %eq3A_1 = arith.cmpi eq, %jit3A, %eq3A : i32
    %jit3A_2 = arith.constant 1 : i32
    %select_n3A = arith.select %eq3A_1, %jit3A_2, %jit3A : i32
    %rem3A = arith.remsi %add3A, %select_n3A : i32
    %ne3A = arith.constant 0 : i32
    %ne3A_3 = arith.cmpi ne, %rem3A, %ne3A : i32
    %lt3A = arith.constant 0 : i32
    %lt3A_4 = arith.cmpi slt, %rem3A, %lt3A : i32
    %lt3A_5 = arith.constant 0 : i32
    %lt3A_6 = arith.cmpi slt, %select_n3A, %lt3A_5 : i32
    %ne3A_7 = arith.xori %lt3A_4, %lt3A_6 : i1
    %and3A = arith.andi %ne3A_7, %ne3A_3 : i1
    %add3A_8 = arith.addi %rem3A, %select_n3A : i32
    %select_n3A_9 = arith.select %and3A, %add3A_8, %rem3A : i32
    %jit3A_10 = arith.constant 16 : i32
    %div3A = arith.divsi %add3A, %jit3A_10 : i32
    %sign3A = arith.constant 0 : i32
    %sign3A_11 = arith.cmpi sgt, %add3A, %sign3A : i32
    %sign3A_12 = arith.extui %sign3A_11 : i1 to i32
    %sign3A_13 = arith.constant 0 : i32
    %sign3A_14 = arith.cmpi slt, %add3A, %sign3A_13 : i32
    %sign3A_15 = arith.extui %sign3A_14 : i1 to i32
    %sign3A_16 = arith.subi %sign3A_12, %sign3A_15 : i32
    %sign3A_17 = arith.constant 0 : i32
    %sign3A_18 = arith.cmpi sgt, %jit3A_10, %sign3A_17 : i32
    %sign3A_19 = arith.extui %sign3A_18 : i1 to i32
    %sign3A_20 = arith.constant 0 : i32
    %sign3A_21 = arith.cmpi slt, %jit3A_10, %sign3A_20 : i32
    %sign3A_22 = arith.extui %sign3A_21 : i1 to i32
    %sign3A_23 = arith.subi %sign3A_19, %sign3A_22 : i32
    %ne3A_24 = arith.cmpi ne, %sign3A_16, %sign3A_23 : i32
    %rem3A_25 = arith.remsi %add3A, %jit3A_10 : i32
    %ne3A_26 = arith.constant 0 : i32
    %ne3A_27 = arith.cmpi ne, %rem3A_25, %ne3A_26 : i32
    %and3A_28 = arith.andi %ne3A_24, %ne3A_27 : i1
    %sub3A = arith.constant 1 : i32
    %sub3A_29 = arith.subi %div3A, %sub3A : i32
    %select_n3A_30 = arith.select %and3A_28, %sub3A_29, %div3A : i32
    %add3A_31 = arith.constant 0 : i32
    %add3A_32 = arith.addi %add3A_31, %select_n3A_9 : i32
    %mul3A_33 = arith.constant 4096 : i32
    %mul3A_34 = arith.muli %select_n3A_30, %mul3A_33 : i32
    %mul3A_35 = arith.constant 4 : i32
    %mul3A_36 = arith.muli %mul3A_34, %mul3A_35 : i32
    %iota3A = tpu.iota {dimensions = array<i32: 0>} : vector<16xi32>
    %broadcast_in_dim3A = arith.constant 0xFF800000 : f32
    %broadcast_in_dim3A_37 = vector.broadcast %broadcast_in_dim3A : f32 to vector<16xf32>
    %eq3A_38 = arith.constant 0 : i32
    %eq3A_39 = arith.cmpi eq, %select_n3A_30, %eq3A_38 : i32
    %convert_element_type3A = arith.extui %eq3A_39 : i1 to i32
    %cond3A = arith.constant 0 : i32
    %cond3A_40 = arith.cmpi ne, %convert_element_type3A, %cond3A : i32
    scf.if %cond3A_40 {
      "tpu.region"() ({
        %run_scoped3A_141 = tpu.sem_alloc : memref<!tpu.dma_semaphore, #tpu.memory_space<semaphore_mem>>
        %dma_start3A = arith.constant 0 : i32
        %dma_start3A_142 = tpu.memref_slice %arg4[%dma_start3A] : memref<16512xf32, #tpu.memory_space<vmem>> -> memref<16512xf32, #tpu.memory_space<vmem>>
        %dma_start3A_143 = arith.constant 0 : i32
        %dma_start3A_144 = tpu.memref_slice %arg2[%add3A_32, %dma_start3A_143] : memref<32x32768xf32, #tpu.memory_space<hbm>> -> memref<1x16512xf32, #tpu.memory_space<hbm>>
        %dma_start3A_145 = tpu.memref_squeeze %dma_start3A_144 : memref<1x16512xf32, #tpu.memory_space<hbm>> -> memref<16512xf32, #tpu.memory_space<hbm>>
        %dma_start3A_146 = arith.constant 0 : i32
        %dma_start3A_147 = tpu.memref_slice %arg4[%dma_start3A_146] : memref<16512xf32, #tpu.memory_space<vmem>> -> memref<16512xf32, #tpu.memory_space<vmem>>
        %dma_start3A_148 = arith.constant 0 : i32
        %dma_start3A_149 = tpu.memref_slice %arg2[%add3A_32, %dma_start3A_148] : memref<32x32768xf32, #tpu.memory_space<hbm>> -> memref<1x16512xf32, #tpu.memory_space<hbm>>
        %dma_start3A_150 = tpu.memref_squeeze %dma_start3A_149 : memref<1x16512xf32, #tpu.memory_space<hbm>> -> memref<16512xf32, #tpu.memory_space<hbm>>
        tpu.enqueue_dma source(%dma_start3A_150 : memref<16512xf32, #tpu.memory_space<hbm>>) target(%dma_start3A_147 : memref<16512xf32, #tpu.memory_space<vmem>>) target_semaphore(%run_scoped3A_141 : memref<!tpu.dma_semaphore, #tpu.memory_space<semaphore_mem>>)
        %dma_wait3A = arith.constant 0 : i32
        %dma_wait3A_151 = tpu.memref_slice %arg4[%dma_wait3A] : memref<16512xf32, #tpu.memory_space<vmem>> -> memref<16512xf32, #tpu.memory_space<vmem>>
        %dma_wait3A_152 = arith.constant 0 : i32
        %dma_wait3A_153 = tpu.memref_slice %arg2[%add3A_32, %dma_wait3A_152] : memref<32x32768xf32, #tpu.memory_space<hbm>> -> memref<1x16512xf32, #tpu.memory_space<hbm>>
        %dma_wait3A_154 = tpu.memref_squeeze %dma_wait3A_153 : memref<1x16512xf32, #tpu.memory_space<hbm>> -> memref<16512xf32, #tpu.memory_space<hbm>>
        %dma_wait3A_155 = arith.constant 0 : i32
        %dma_wait3A_156 = tpu.memref_slice %arg4[%dma_wait3A_155] : memref<16512xf32, #tpu.memory_space<vmem>> -> memref<16512xf32, #tpu.memory_space<vmem>>
        %dma_wait3A_157 = arith.constant 0 : i32
        %dma_wait3A_158 = tpu.memref_slice %arg2[%add3A_32, %dma_wait3A_157] : memref<32x32768xf32, #tpu.memory_space<hbm>> -> memref<1x16512xf32, #tpu.memory_space<hbm>>
        %dma_wait3A_159 = tpu.memref_squeeze %dma_wait3A_158 : memref<1x16512xf32, #tpu.memory_space<hbm>> -> memref<16512xf32, #tpu.memory_space<hbm>>
        tpu.wait_dma2 semaphore(%run_scoped3A_141 : memref<!tpu.dma_semaphore, #tpu.memory_space<semaphore_mem>>) src(%dma_wait3A_159 : memref<16512xf32, #tpu.memory_space<hbm>>) dst(%dma_wait3A_156 : memref<16512xf32, #tpu.memory_space<vmem>>)
        tpu.yield
      }) : () -> ()
    } else {
    }
    %eq3A_41 = arith.constant 1 : i32
    %eq3A_42 = arith.cmpi eq, %select_n3A_30, %eq3A_41 : i32
    %convert_element_type3A_43 = arith.extui %eq3A_42 : i1 to i32
    %cond3A_44 = arith.constant 0 : i32
    %cond3A_45 = arith.cmpi ne, %convert_element_type3A_43, %cond3A_44 : i32
    scf.if %cond3A_45 {
      "tpu.region"() ({
        %run_scoped3A_141 = tpu.sem_alloc : memref<!tpu.dma_semaphore, #tpu.memory_space<semaphore_mem>>
        %dma_start3A = arith.constant 0 : i32
        %dma_start3A_142 = tpu.memref_slice %arg4[%dma_start3A] : memref<16512xf32, #tpu.memory_space<vmem>> -> memref<16384xf32, #tpu.memory_space<vmem>>
        %dma_start3A_143 = arith.constant 16384 : i32
        %dma_start3A_144 = tpu.memref_slice %arg2[%add3A_32, %dma_start3A_143] : memref<32x32768xf32, #tpu.memory_space<hbm>> -> memref<1x16384xf32, #tpu.memory_space<hbm>>
        %dma_start3A_145 = tpu.memref_squeeze %dma_start3A_144 : memref<1x16384xf32, #tpu.memory_space<hbm>> -> memref<16384xf32, #tpu.memory_space<hbm>>
        %dma_start3A_146 = arith.constant 0 : i32
        %dma_start3A_147 = tpu.memref_slice %arg4[%dma_start3A_146] : memref<16512xf32, #tpu.memory_space<vmem>> -> memref<16384xf32, #tpu.memory_space<vmem>>
        %dma_start3A_148 = arith.constant 16384 : i32
        %dma_start3A_149 = tpu.memref_slice %arg2[%add3A_32, %dma_start3A_148] : memref<32x32768xf32, #tpu.memory_space<hbm>> -> memref<1x16384xf32, #tpu.memory_space<hbm>>
        %dma_start3A_150 = tpu.memref_squeeze %dma_start3A_149 : memref<1x16384xf32, #tpu.memory_space<hbm>> -> memref<16384xf32, #tpu.memory_space<hbm>>
        tpu.enqueue_dma source(%dma_start3A_150 : memref<16384xf32, #tpu.memory_space<hbm>>) target(%dma_start3A_147 : memref<16384xf32, #tpu.memory_space<vmem>>) target_semaphore(%run_scoped3A_141 : memref<!tpu.dma_semaphore, #tpu.memory_space<semaphore_mem>>)
        %dma_wait3A = arith.constant 0 : i32
        %dma_wait3A_151 = tpu.memref_slice %arg4[%dma_wait3A] : memref<16512xf32, #tpu.memory_space<vmem>> -> memref<16384xf32, #tpu.memory_space<vmem>>
        %dma_wait3A_152 = arith.constant 16384 : i32
        %dma_wait3A_153 = tpu.memref_slice %arg2[%add3A_32, %dma_wait3A_152] : memref<32x32768xf32, #tpu.memory_space<hbm>> -> memref<1x16384xf32, #tpu.memory_space<hbm>>
        %dma_wait3A_154 = tpu.memref_squeeze %dma_wait3A_153 : memref<1x16384xf32, #tpu.memory_space<hbm>> -> memref<16384xf32, #tpu.memory_space<hbm>>
        %dma_wait3A_155 = arith.constant 0 : i32
        %dma_wait3A_156 = tpu.memref_slice %arg4[%dma_wait3A_155] : memref<16512xf32, #tpu.memory_space<vmem>> -> memref<16384xf32, #tpu.memory_space<vmem>>
        %dma_wait3A_157 = arith.constant 16384 : i32
        %dma_wait3A_158 = tpu.memref_slice %arg2[%add3A_32, %dma_wait3A_157] : memref<32x32768xf32, #tpu.memory_space<hbm>> -> memref<1x16384xf32, #tpu.memory_space<hbm>>
        %dma_wait3A_159 = tpu.memref_squeeze %dma_wait3A_158 : memref<1x16384xf32, #tpu.memory_space<hbm>> -> memref<16384xf32, #tpu.memory_space<hbm>>
        tpu.wait_dma2 semaphore(%run_scoped3A_141 : memref<!tpu.dma_semaphore, #tpu.memory_space<semaphore_mem>>) src(%dma_wait3A_159 : memref<16384xf32, #tpu.memory_space<hbm>>) dst(%dma_wait3A_156 : memref<16384xf32, #tpu.memory_space<vmem>>)
        tpu.yield
      }) : () -> ()
    } else {
    }
    %scan3A = arith.constant 0 : i32
    %scan3A_46 = arith.constant 0 : i32
    %scan3A_47 = arith.constant 64 : i32
    %scan3A_48 = arith.addi %scan3A_46, %scan3A_47 : i32
    %scan3A_49 = arith.constant 1 : i32
    scf.for %scan3A_141 = %scan3A_46 to %scan3A_48 step %scan3A_49  : i32 {
      %mul3A_142 = arith.constant 64 : i32
      %mul3A_143 = arith.muli %scan3A_141, %mul3A_142 : i32
      %add3A_144 = arith.constant 0 : i32
      %add3A_145 = arith.addi %mul3A_143, %add3A_144 : i32
      %add3A_146 = vector.broadcast %add3A_145 : i32 to vector<16xi32>
      %add3A_147 = arith.addi %add3A_146, %iota3A : vector<16xi32>
      %mul3A_148 = arith.constant 4 : i32
      %mul3A_149 = vector.broadcast %mul3A_148 : i32 to vector<16xi32>
      %mul3A_150 = arith.muli %add3A_147, %mul3A_149 : vector<16xi32>
      %add3A_151 = arith.constant 1 : i32
      %add3A_152 = vector.broadcast %add3A_151 : i32 to vector<16xi32>
      %add3A_153 = arith.addi %mul3A_150, %add3A_152 : vector<16xi32>
      %gather3A_154 = tpu.vector_load_idx %arg4[%add3A_153] : memref<16512xf32, #tpu.memory_space<vmem>>[vector<16xi32>], vector<16xf32>,
      %add3A_155 = arith.constant 0 : i32
      %add3A_156 = arith.addi %mul3A_143, %add3A_155 : i32
      %swap3A_157 = arith.index_cast %add3A_156 : i32 to index
      %swap3A_158 = tpu.vector_load %arg5[%swap3A_157] {strides = array<i32>} : memref<4224xf32, #tpu.memory_space<vmem>>, vector<16xf32>,
      tpu.vector_store %arg5[%swap3A_157], %gather3A_154 {strides = array<i32>} : memref<4224xf32, #tpu.memory_space<vmem>>, vector<16xf32>,
      %add3A_159 = arith.constant 16 : i32
      %add3A_160 = arith.addi %mul3A_143, %add3A_159 : i32
      %add3A_161 = vector.broadcast %add3A_160 : i32 to vector<16xi32>
      %add3A_162 = arith.addi %add3A_161, %iota3A : vector<16xi32>
      %mul3A_163 = arith.constant 4 : i32
      %mul3A_164 = vector.broadcast %mul3A_163 : i32 to vector<16xi32>
      %mul3A_165 = arith.muli %add3A_162, %mul3A_164 : vector<16xi32>
      %add3A_166 = arith.constant 1 : i32
      %add3A_167 = vector.broadcast %add3A_166 : i32 to vector<16xi32>
      %add3A_168 = arith.addi %mul3A_165, %add3A_167 : vector<16xi32>
      %gather3A_169 = tpu.vector_load_idx %arg4[%add3A_168] : memref<16512xf32, #tpu.memory_space<vmem>>[vector<16xi32>], vector<16xf32>,
      %add3A_170 = arith.constant 16 : i32
      %add3A_171 = arith.addi %mul3A_143, %add3A_170 : i32
      %swap3A_172 = arith.index_cast %add3A_171 : i32 to index
      %swap3A_173 = tpu.vector_load %arg5[%swap3A_172] {strides = array<i32>} : memref<4224xf32, #tpu.memory_space<vmem>>, vector<16xf32>,
      tpu.vector_store %arg5[%swap3A_172], %gather3A_169 {strides = array<i32>} : memref<4224xf32, #tpu.memory_space<vmem>>, vector<16xf32>,
      %add3A_174 = arith.constant 32 : i32
      %add3A_175 = arith.addi %mul3A_143, %add3A_174 : i32
      %add3A_176 = vector.broadcast %add3A_175 : i32 to vector<16xi32>
      %add3A_177 = arith.addi %add3A_176, %iota3A : vector<16xi32>
      %mul3A_178 = arith.constant 4 : i32
      %mul3A_179 = vector.broadcast %mul3A_178 : i32 to vector<16xi32>
      %mul3A_180 = arith.muli %add3A_177, %mul3A_179 : vector<16xi32>
      %add3A_181 = arith.constant 1 : i32
      %add3A_182 = vector.broadcast %add3A_181 : i32 to vector<16xi32>
      %add3A_183 = arith.addi %mul3A_180, %add3A_182 : vector<16xi32>
      %gather3A_184 = tpu.vector_load_idx %arg4[%add3A_183] : memref<16512xf32, #tpu.memory_space<vmem>>[vector<16xi32>], vector<16xf32>,
      %add3A_185 = arith.constant 32 : i32
      %add3A_186 = arith.addi %mul3A_143, %add3A_185 : i32
      %swap3A_187 = arith.index_cast %add3A_186 : i32 to index
      %swap3A_188 = tpu.vector_load %arg5[%swap3A_187] {strides = array<i32>} : memref<4224xf32, #tpu.memory_space<vmem>>, vector<16xf32>,
      tpu.vector_store %arg5[%swap3A_187], %gather3A_184 {strides = array<i32>} : memref<4224xf32, #tpu.memory_space<vmem>>, vector<16xf32>,
      %add3A_189 = arith.constant 48 : i32
      %add3A_190 = arith.addi %mul3A_143, %add3A_189 : i32
      %add3A_191 = vector.broadcast %add3A_190 : i32 to vector<16xi32>
      %add3A_192 = arith.addi %add3A_191, %iota3A : vector<16xi32>
      %mul3A_193 = arith.constant 4 : i32
      %mul3A_194 = vector.broadcast %mul3A_193 : i32 to vector<16xi32>
      %mul3A_195 = arith.muli %add3A_192, %mul3A_194 : vector<16xi32>
      %add3A_196 = arith.constant 1 : i32
      %add3A_197 = vector.broadcast %add3A_196 : i32 to vector<16xi32>
      %add3A_198 = arith.addi %mul3A_195, %add3A_197 : vector<16xi32>
      %gather3A_199 = tpu.vector_load_idx %arg4[%add3A_198] : memref<16512xf32, #tpu.memory_space<vmem>>[vector<16xi32>], vector<16xf32>,
      %add3A_200 = arith.constant 48 : i32
      %add3A_201 = arith.addi %mul3A_143, %add3A_200 : i32
      %swap3A_202 = arith.index_cast %add3A_201 : i32 to index
      %swap3A_203 = tpu.vector_load %arg5[%swap3A_202] {strides = array<i32>} : memref<4224xf32, #tpu.memory_space<vmem>>, vector<16xf32>,
      tpu.vector_store %arg5[%swap3A_202], %gather3A_199 {strides = array<i32>} : memref<4224xf32, #tpu.memory_space<vmem>>, vector<16xf32>,
    }
    %scan3A_50 = arith.constant 64 : i32
    %add3A_51 = arith.constant 4096 : i32
    %add3A_52 = vector.broadcast %add3A_51 : i32 to vector<16xi32>
    %add3A_53 = arith.addi %add3A_52, %iota3A : vector<16xi32>
    %mul3A_54 = arith.constant 4 : i32
    %mul3A_55 = vector.broadcast %mul3A_54 : i32 to vector<16xi32>
    %mul3A_56 = arith.muli %add3A_53, %mul3A_55 : vector<16xi32>
    %add3A_57 = arith.constant 1 : i32
    %add3A_58 = vector.broadcast %add3A_57 : i32 to vector<16xi32>
    %add3A_59 = arith.addi %mul3A_56, %add3A_58 : vector<16xi32>
    %gather3A = tpu.vector_load_idx %arg4[%add3A_59] : memref<16512xf32, #tpu.memory_space<vmem>>[vector<16xi32>], vector<16xf32>,
    %swap3A = arith.constant 4096 : index
    %swap3A_60 = tpu.vector_load %arg5[%swap3A] {strides = array<i32>} : memref<4224xf32, #tpu.memory_space<vmem>>, vector<16xf32>,
    tpu.vector_store %arg5[%swap3A], %gather3A {strides = array<i32>} : memref<4224xf32, #tpu.memory_space<vmem>>, vector<16xf32>,
    %add3A_61 = arith.constant 4112 : i32
    %add3A_62 = vector.broadcast %add3A_61 : i32 to vector<16xi32>
    %add3A_63 = arith.addi %add3A_62, %iota3A : vector<16xi32>
    %mul3A_64 = arith.constant 4 : i32
    %mul3A_65 = vector.broadcast %mul3A_64 : i32 to vector<16xi32>
    %mul3A_66 = arith.muli %add3A_63, %mul3A_65 : vector<16xi32>
    %add3A_67 = arith.constant 1 : i32
    %add3A_68 = vector.broadcast %add3A_67 : i32 to vector<16xi32>
    %add3A_69 = arith.addi %mul3A_66, %add3A_68 : vector<16xi32>
    %gather3A_70 = tpu.vector_load_idx %arg4[%add3A_69] : memref<16512xf32, #tpu.memory_space<vmem>>[vector<16xi32>], vector<16xf32>,
    %swap3A_71 = arith.constant 4112 : index
    %swap3A_72 = tpu.vector_load %arg5[%swap3A_71] {strides = array<i32>} : memref<4224xf32, #tpu.memory_space<vmem>>, vector<16xf32>,
    tpu.vector_store %arg5[%swap3A_71], %gather3A_70 {strides = array<i32>} : memref<4224xf32, #tpu.memory_space<vmem>>, vector<16xf32>,
    %swap3A_73 = arith.constant 4128 : index
    %swap3A_74 = tpu.vector_load %arg5[%swap3A_73] {strides = array<i32>} : memref<4224xf32, #tpu.memory_space<vmem>>, vector<16xf32>,
    tpu.vector_store %arg5[%swap3A_73], %broadcast_in_dim3A_37 {strides = array<i32>} : memref<4224xf32, #tpu.memory_space<vmem>>, vector<16xf32>,
    %swap3A_75 = arith.constant 4128 : index
    %swap3A_76 = tpu.vector_load %arg6[%swap3A_75] {strides = array<i32>} : memref<4224xf32, #tpu.memory_space<vmem>>, vector<16xf32>,
    tpu.vector_store %arg6[%swap3A_75], %broadcast_in_dim3A_37 {strides = array<i32>} : memref<4224xf32, #tpu.memory_space<vmem>>, vector<16xf32>,
    %swap3A_77 = arith.constant 4128 : index
    %swap3A_78 = tpu.vector_load %arg7[%swap3A_77] {strides = array<i32>} : memref<4224xf32, #tpu.memory_space<vmem>>, vector<16xf32>,
    tpu.vector_store %arg7[%swap3A_77], %broadcast_in_dim3A_37 {strides = array<i32>} : memref<4224xf32, #tpu.memory_space<vmem>>, vector<16xf32>,
    %swap3A_79 = arith.constant 4144 : index
    %swap3A_80 = tpu.vector_load %arg5[%swap3A_79] {strides = array<i32>} : memref<4224xf32, #tpu.memory_space<vmem>>, vector<16xf32>,
    tpu.vector_store %arg5[%swap3A_79], %broadcast_in_dim3A_37 {strides = array<i32>} : memref<4224xf32, #tpu.memory_space<vmem>>, vector<16xf32>,
    %swap3A_81 = arith.constant 4144 : index
    %swap3A_82 = tpu.vector_load %arg6[%swap3A_81] {strides = array<i32>} : memref<4224xf32, #tpu.memory_space<vmem>>, vector<16xf32>,
    tpu.vector_store %arg6[%swap3A_81], %broadcast_in_dim3A_37 {strides = array<i32>} : memref<4224xf32, #tpu.memory_space<vmem>>, vector<16xf32>,
    %swap3A_83 = arith.constant 4144 : index
    %swap3A_84 = tpu.vector_load %arg7[%swap3A_83] {strides = array<i32>} : memref<4224xf32, #tpu.memory_space<vmem>>, vector<16xf32>,
    tpu.vector_store %arg7[%swap3A_83], %broadcast_in_dim3A_37 {strides = array<i32>} : memref<4224xf32, #tpu.memory_space<vmem>>, vector<16xf32>,
    %swap3A_85 = arith.constant 4160 : index
    %swap3A_86 = tpu.vector_load %arg5[%swap3A_85] {strides = array<i32>} : memref<4224xf32, #tpu.memory_space<vmem>>, vector<16xf32>,
    tpu.vector_store %arg5[%swap3A_85], %broadcast_in_dim3A_37 {strides = array<i32>} : memref<4224xf32, #tpu.memory_space<vmem>>, vector<16xf32>,
    %swap3A_87 = arith.constant 4160 : index
    %swap3A_88 = tpu.vector_load %arg6[%swap3A_87] {strides = array<i32>} : memref<4224xf32, #tpu.memory_space<vmem>>, vector<16xf32>,
    tpu.vector_store %arg6[%swap3A_87], %broadcast_in_dim3A_37 {strides = array<i32>} : memref<4224xf32, #tpu.memory_space<vmem>>, vector<16xf32>,
    %swap3A_89 = arith.constant 4160 : index
    %swap3A_90 = tpu.vector_load %arg7[%swap3A_89] {strides = array<i32>} : memref<4224xf32, #tpu.memory_space<vmem>>, vector<16xf32>,
    tpu.vector_store %arg7[%swap3A_89], %broadcast_in_dim3A_37 {strides = array<i32>} : memref<4224xf32, #tpu.memory_space<vmem>>, vector<16xf32>,
    %swap3A_91 = arith.constant 4176 : index
    %swap3A_92 = tpu.vector_load %arg5[%swap3A_91] {strides = array<i32>} : memref<4224xf32, #tpu.memory_space<vmem>>, vector<16xf32>,
    tpu.vector_store %arg5[%swap3A_91], %broadcast_in_dim3A_37 {strides = array<i32>} : memref<4224xf32, #tpu.memory_space<vmem>>, vector<16xf32>,
    %swap3A_93 = arith.constant 4176 : index
    %swap3A_94 = tpu.vector_load %arg6[%swap3A_93] {strides = array<i32>} : memref<4224xf32, #tpu.memory_space<vmem>>, vector<16xf32>,
    tpu.vector_store %arg6[%swap3A_93], %broadcast_in_dim3A_37 {strides = array<i32>} : memref<4224xf32, #tpu.memory_space<vmem>>, vector<16xf32>,
    %swap3A_95 = arith.constant 4176 : index
    %swap3A_96 = tpu.vector_load %arg7[%swap3A_95] {strides = array<i32>} : memref<4224xf32, #tpu.memory_space<vmem>>, vector<16xf32>,
    tpu.vector_store %arg7[%swap3A_95], %broadcast_in_dim3A_37 {strides = array<i32>} : memref<4224xf32, #tpu.memory_space<vmem>>, vector<16xf32>,
    %swap3A_97 = arith.constant 4192 : index
    %swap3A_98 = tpu.vector_load %arg5[%swap3A_97] {strides = array<i32>} : memref<4224xf32, #tpu.memory_space<vmem>>, vector<16xf32>,
    tpu.vector_store %arg5[%swap3A_97], %broadcast_in_dim3A_37 {strides = array<i32>} : memref<4224xf32, #tpu.memory_space<vmem>>, vector<16xf32>,
    %swap3A_99 = arith.constant 4192 : index
    %swap3A_100 = tpu.vector_load %arg6[%swap3A_99] {strides = array<i32>} : memref<4224xf32, #tpu.memory_space<vmem>>, vector<16xf32>,
    tpu.vector_store %arg6[%swap3A_99], %broadcast_in_dim3A_37 {strides = array<i32>} : memref<4224xf32, #tpu.memory_space<vmem>>, vector<16xf32>,
    %swap3A_101 = arith.constant 4192 : index
    %swap3A_102 = tpu.vector_load %arg7[%swap3A_101] {strides = array<i32>} : memref<4224xf32, #tpu.memory_space<vmem>>, vector<16xf32>,
    tpu.vector_store %arg7[%swap3A_101], %broadcast_in_dim3A_37 {strides = array<i32>} : memref<4224xf32, #tpu.memory_space<vmem>>, vector<16xf32>,
    %swap3A_103 = arith.constant 4208 : index
    %swap3A_104 = tpu.vector_load %arg5[%swap3A_103] {strides = array<i32>} : memref<4224xf32, #tpu.memory_space<vmem>>, vector<16xf32>,
    tpu.vector_store %arg5[%swap3A_103], %broadcast_in_dim3A_37 {strides = array<i32>} : memref<4224xf32, #tpu.memory_space<vmem>>, vector<16xf32>,
    %swap3A_105 = arith.constant 4208 : index
    %swap3A_106 = tpu.vector_load %arg6[%swap3A_105] {strides = array<i32>} : memref<4224xf32, #tpu.memory_space<vmem>>, vector<16xf32>,
    tpu.vector_store %arg6[%swap3A_105], %broadcast_in_dim3A_37 {strides = array<i32>} : memref<4224xf32, #tpu.memory_space<vmem>>, vector<16xf32>,
    %swap3A_107 = arith.constant 4208 : index
    %swap3A_108 = tpu.vector_load %arg7[%swap3A_107] {strides = array<i32>} : memref<4224xf32, #tpu.memory_space<vmem>>, vector<16xf32>,
    tpu.vector_store %arg7[%swap3A_107], %broadcast_in_dim3A_37 {strides = array<i32>} : memref<4224xf32, #tpu.memory_space<vmem>>, vector<16xf32>,
    %scan3A_109 = arith.constant 0 : i32
    %scan3A_110 = arith.constant 0 : i32
    %scan3A_111 = arith.constant 130 : i32
    %scan3A_112 = arith.addi %scan3A_110, %scan3A_111 : i32
    %scan3A_113 = arith.constant 1 : i32
    scf.for %scan3A_141 = %scan3A_110 to %scan3A_112 step %scan3A_113  : i32 {
      %mul3A_142 = arith.constant 32 : i32
      %mul3A_143 = arith.muli %scan3A_141, %mul3A_142 : i32
      %get3A = arith.index_cast %mul3A_143 : i32 to index
      %get3A_144 = tpu.vector_load %arg5[%get3A] {strides = array<i32>} : memref<4224xf32, #tpu.memory_space<vmem>>, vector<16xf32>,
      %add3A_145 = arith.constant 1 : i32
      %add3A_146 = arith.addi %mul3A_143, %add3A_145 : i32
      %get3A_147 = arith.index_cast %add3A_146 : i32 to index
      %get3A_148 = tpu.vector_load %arg5[%get3A_147] {strides = array<i32>} : memref<4224xf32, #tpu.memory_space<vmem>>, vector<16xf32>,
      %max3A = arith.maximumf %get3A_144, %get3A_148 : vector<16xf32>
      %swap3A_149 = arith.index_cast %mul3A_143 : i32 to index
      %swap3A_150 = tpu.vector_load %arg6[%swap3A_149] {strides = array<i32>} : memref<4224xf32, #tpu.memory_space<vmem>>, vector<16xf32>,
      tpu.vector_store %arg6[%swap3A_149], %max3A {strides = array<i32>} : memref<4224xf32, #tpu.memory_space<vmem>>, vector<16xf32>,
      %add3A_151 = arith.constant 16 : i32
      %add3A_152 = arith.addi %mul3A_143, %add3A_151 : i32
      %get3A_153 = arith.index_cast %add3A_152 : i32 to index
      %get3A_154 = tpu.vector_load %arg5[%get3A_153] {strides = array<i32>} : memref<4224xf32, #tpu.memory_space<vmem>>, vector<16xf32>,
      %add3A_155 = arith.constant 16 : i32
      %add3A_156 = arith.addi %mul3A_143, %add3A_155 : i32
      %add3A_157 = arith.constant 1 : i32
      %add3A_158 = arith.addi %add3A_156, %add3A_157 : i32
      %get3A_159 = arith.index_cast %add3A_158 : i32 to index
      %get3A_160 = tpu.vector_load %arg5[%get3A_159] {strides = array<i32>} : memref<4224xf32, #tpu.memory_space<vmem>>, vector<16xf32>,
      %max3A_161 = arith.maximumf %get3A_154, %get3A_160 : vector<16xf32>
      %add3A_162 = arith.constant 16 : i32
      %add3A_163 = arith.addi %mul3A_143, %add3A_162 : i32
      %swap3A_164 = arith.index_cast %add3A_163 : i32 to index
      %swap3A_165 = tpu.vector_load %arg6[%swap3A_164] {strides = array<i32>} : memref<4224xf32, #tpu.memory_space<vmem>>, vector<16xf32>,
      tpu.vector_store %arg6[%swap3A_164], %max3A_161 {strides = array<i32>} : memref<4224xf32, #tpu.memory_space<vmem>>, vector<16xf32>,
    }
    %scan3A_114 = arith.constant 130 : i32
    %scan3A_115 = arith.constant 0 : i32
    %scan3A_116 = arith.constant 0 : i32
    %scan3A_117 = arith.constant 130 : i32
    %scan3A_118 = arith.addi %scan3A_116, %scan3A_117 : i32
    %scan3A_119 = arith.constant 1 : i32
    scf.for %scan3A_141 = %scan3A_116 to %scan3A_118 step %scan3A_119  : i32 {
      %mul3A_142 = arith.constant 32 : i32
      %mul3A_143 = arith.muli %scan3A_141, %mul3A_142 : i32
      %get3A = arith.index_cast %mul3A_143 : i32 to index
      %get3A_144 = tpu.vector_load %arg6[%get3A] {strides = array<i32>} : memref<4224xf32, #tpu.memory_space<vmem>>, vector<16xf32>,
      %add3A_145 = arith.constant 2 : i32
      %add3A_146 = arith.addi %mul3A_143, %add3A_145 : i32
      %get3A_147 = arith.index_cast %add3A_146 : i32 to index
      %get3A_148 = tpu.vector_load %arg6[%get3A_147] {strides = array<i32>} : memref<4224xf32, #tpu.memory_space<vmem>>, vector<16xf32>,
      %max3A = arith.maximumf %get3A_144, %get3A_148 : vector<16xf32>
      %swap3A_149 = arith.index_cast %mul3A_143 : i32 to index
      %swap3A_150 = tpu.vector_load %arg7[%swap3A_149] {strides = array<i32>} : memref<4224xf32, #tpu.memory_space<vmem>>, vector<16xf32>,
      tpu.vector_store %arg7[%swap3A_149], %max3A {strides = array<i32>} : memref<4224xf32, #tpu.memory_space<vmem>>, vector<16xf32>,
      %add3A_151 = arith.constant 16 : i32
      %add3A_152 = arith.addi %mul3A_143, %add3A_151 : i32
      %get3A_153 = arith.index_cast %add3A_152 : i32 to index
      %get3A_154 = tpu.vector_load %arg6[%get3A_153] {strides = array<i32>} : memref<4224xf32, #tpu.memory_space<vmem>>, vector<16xf32>,
      %add3A_155 = arith.constant 16 : i32
      %add3A_156 = arith.addi %mul3A_143, %add3A_155 : i32
      %add3A_157 = arith.constant 2 : i32
      %add3A_158 = arith.addi %add3A_156, %add3A_157 : i32
      %get3A_159 = arith.index_cast %add3A_158 : i32 to index
      %get3A_160 = tpu.vector_load %arg6[%get3A_159] {strides = array<i32>} : memref<4224xf32, #tpu.memory_space<vmem>>, vector<16xf32>,
      %max3A_161 = arith.maximumf %get3A_154, %get3A_160 : vector<16xf32>
      %add3A_162 = arith.constant 16 : i32
      %add3A_163 = arith.addi %mul3A_143, %add3A_162 : i32
      %swap3A_164 = arith.index_cast %add3A_163 : i32 to index
      %swap3A_165 = tpu.vector_load %arg7[%swap3A_164] {strides = array<i32>} : memref<4224xf32, #tpu.memory_space<vmem>>, vector<16xf32>,
      tpu.vector_store %arg7[%swap3A_164], %max3A_161 {strides = array<i32>} : memref<4224xf32, #tpu.memory_space<vmem>>, vector<16xf32>,
    }
    %scan3A_120 = arith.constant 130 : i32
    %scan3A_121 = arith.constant 0 : i32
    %scan3A_122 = arith.constant 0 : i32
    %scan3A_123 = arith.constant 130 : i32
    %scan3A_124 = arith.addi %scan3A_122, %scan3A_123 : i32
    %scan3A_125 = arith.constant 1 : i32
    scf.for %scan3A_141 = %scan3A_122 to %scan3A_124 step %scan3A_125  : i32 {
      %mul3A_142 = arith.constant 32 : i32
      %mul3A_143 = arith.muli %scan3A_141, %mul3A_142 : i32
      %get3A = arith.index_cast %mul3A_143 : i32 to index
      %get3A_144 = tpu.vector_load %arg7[%get3A] {strides = array<i32>} : memref<4224xf32, #tpu.memory_space<vmem>>, vector<16xf32>,
      %add3A_145 = arith.constant 4 : i32
      %add3A_146 = arith.addi %mul3A_143, %add3A_145 : i32
      %get3A_147 = arith.index_cast %add3A_146 : i32 to index
      %get3A_148 = tpu.vector_load %arg7[%get3A_147] {strides = array<i32>} : memref<4224xf32, #tpu.memory_space<vmem>>, vector<16xf32>,
      %max3A = arith.maximumf %get3A_144, %get3A_148 : vector<16xf32>
      %swap3A_149 = arith.index_cast %mul3A_143 : i32 to index
      %swap3A_150 = tpu.vector_load %arg6[%swap3A_149] {strides = array<i32>} : memref<4224xf32, #tpu.memory_space<vmem>>, vector<16xf32>,
      tpu.vector_store %arg6[%swap3A_149], %max3A {strides = array<i32>} : memref<4224xf32, #tpu.memory_space<vmem>>, vector<16xf32>,
      %add3A_151 = arith.constant 16 : i32
      %add3A_152 = arith.addi %mul3A_143, %add3A_151 : i32
      %get3A_153 = arith.index_cast %add3A_152 : i32 to index
      %get3A_154 = tpu.vector_load %arg7[%get3A_153] {strides = array<i32>} : memref<4224xf32, #tpu.memory_space<vmem>>, vector<16xf32>,
      %add3A_155 = arith.constant 16 : i32
      %add3A_156 = arith.addi %mul3A_143, %add3A_155 : i32
      %add3A_157 = arith.constant 4 : i32
      %add3A_158 = arith.addi %add3A_156, %add3A_157 : i32
      %get3A_159 = arith.index_cast %add3A_158 : i32 to index
      %get3A_160 = tpu.vector_load %arg7[%get3A_159] {strides = array<i32>} : memref<4224xf32, #tpu.memory_space<vmem>>, vector<16xf32>,
      %max3A_161 = arith.maximumf %get3A_154, %get3A_160 : vector<16xf32>
      %add3A_162 = arith.constant 16 : i32
      %add3A_163 = arith.addi %mul3A_143, %add3A_162 : i32
      %swap3A_164 = arith.index_cast %add3A_163 : i32 to index
      %swap3A_165 = tpu.vector_load %arg6[%swap3A_164] {strides = array<i32>} : memref<4224xf32, #tpu.memory_space<vmem>>, vector<16xf32>,
      tpu.vector_store %arg6[%swap3A_164], %max3A_161 {strides = array<i32>} : memref<4224xf32, #tpu.memory_space<vmem>>, vector<16xf32>,
    }
    %scan3A_126 = arith.constant 130 : i32
    %scan3A_127 = arith.constant 0 : i32
    %scan3A_128 = arith.constant 0 : i32
    %scan3A_129 = arith.constant 130 : i32
    %scan3A_130 = arith.addi %scan3A_128, %scan3A_129 : i32
    %scan3A_131 = arith.constant 1 : i32
    scf.for %scan3A_141 = %scan3A_128 to %scan3A_130 step %scan3A_131  : i32 {
      %mul3A_142 = arith.constant 32 : i32
      %mul3A_143 = arith.muli %scan3A_141, %mul3A_142 : i32
      %get3A = arith.index_cast %mul3A_143 : i32 to index
      %get3A_144 = tpu.vector_load %arg6[%get3A] {strides = array<i32>} : memref<4224xf32, #tpu.memory_space<vmem>>, vector<16xf32>,
      %add3A_145 = arith.constant 8 : i32
      %add3A_146 = arith.addi %mul3A_143, %add3A_145 : i32
      %get3A_147 = arith.index_cast %add3A_146 : i32 to index
      %get3A_148 = tpu.vector_load %arg6[%get3A_147] {strides = array<i32>} : memref<4224xf32, #tpu.memory_space<vmem>>, vector<16xf32>,
      %max3A = arith.maximumf %get3A_144, %get3A_148 : vector<16xf32>
      %swap3A_149 = arith.index_cast %mul3A_143 : i32 to index
      %swap3A_150 = tpu.vector_load %arg7[%swap3A_149] {strides = array<i32>} : memref<4224xf32, #tpu.memory_space<vmem>>, vector<16xf32>,
      tpu.vector_store %arg7[%swap3A_149], %max3A {strides = array<i32>} : memref<4224xf32, #tpu.memory_space<vmem>>, vector<16xf32>,
      %add3A_151 = arith.constant 16 : i32
      %add3A_152 = arith.addi %mul3A_143, %add3A_151 : i32
      %get3A_153 = arith.index_cast %add3A_152 : i32 to index
      %get3A_154 = tpu.vector_load %arg6[%get3A_153] {strides = array<i32>} : memref<4224xf32, #tpu.memory_space<vmem>>, vector<16xf32>,
      %add3A_155 = arith.constant 16 : i32
      %add3A_156 = arith.addi %mul3A_143, %add3A_155 : i32
      %add3A_157 = arith.constant 8 : i32
      %add3A_158 = arith.addi %add3A_156, %add3A_157 : i32
      %get3A_159 = arith.index_cast %add3A_158 : i32 to index
      %get3A_160 = tpu.vector_load %arg6[%get3A_159] {strides = array<i32>} : memref<4224xf32, #tpu.memory_space<vmem>>, vector<16xf32>,
      %max3A_161 = arith.maximumf %get3A_154, %get3A_160 : vector<16xf32>
      %add3A_162 = arith.constant 16 : i32
      %add3A_163 = arith.addi %mul3A_143, %add3A_162 : i32
      %swap3A_164 = arith.index_cast %add3A_163 : i32 to index
      %swap3A_165 = tpu.vector_load %arg7[%swap3A_164] {strides = array<i32>} : memref<4224xf32, #tpu.memory_space<vmem>>, vector<16xf32>,
      tpu.vector_store %arg7[%swap3A_164], %max3A_161 {strides = array<i32>} : memref<4224xf32, #tpu.memory_space<vmem>>, vector<16xf32>,
    }
    %scan3A_132 = arith.constant 130 : i32
    %scan3A_133 = arith.constant 0 : i32
    %scan3A_134 = arith.constant 0 : i32
    %scan3A_135 = arith.constant 128 : i32
    %scan3A_136 = arith.addi %scan3A_134, %scan3A_135 : i32
    %scan3A_137 = arith.constant 1 : i32
    scf.for %scan3A_141 = %scan3A_134 to %scan3A_136 step %scan3A_137  : i32 {
      %mul3A_142 = arith.constant 32 : i32
      %mul3A_143 = arith.muli %scan3A_141, %mul3A_142 : i32
      %add3A_144 = arith.constant 0 : i32
      %add3A_145 = arith.addi %mul3A_143, %add3A_144 : i32
      %get3A = arith.index_cast %add3A_145 : i32 to index
      %get3A_146 = tpu.vector_load %arg7[%get3A] {strides = array<i32>} : memref<4224xf32, #tpu.memory_space<vmem>>, vector<16xf32>,
      %add3A_147 = arith.constant 16 : i32
      %add3A_148 = arith.addi %add3A_145, %add3A_147 : i32
      %get3A_149 = arith.index_cast %add3A_148 : i32 to index
      %get3A_150 = tpu.vector_load %arg6[%get3A_149] {strides = array<i32>} : memref<4224xf32, #tpu.memory_space<vmem>>, vector<16xf32>,
      %max3A = arith.maximumf %get3A_146, %get3A_150 : vector<16xf32>
      %add3A_151 = arith.constant 2.000000e+00 : f32
      %add3A_152 = vector.broadcast %add3A_151 : f32 to vector<16xf32>
      %add3A_153 = arith.addf %max3A, %add3A_152 : vector<16xf32>
      %mul3A_154 = arith.constant 1.600000e+01 : f32
      %mul3A_155 = vector.broadcast %mul3A_154 : f32 to vector<16xf32>
      %mul3A_156 = arith.mulf %add3A_153, %mul3A_155 : vector<16xf32>
      %jit3A_157 = arith.constant -1.000000e+00 : f32
      %jit3A_158 = arith.constant 6.400000e+01 : f32
      %max3A_159 = vector.broadcast %jit3A_157 : f32 to vector<16xf32>
      %max3A_160 = arith.maximumf %max3A_159, %mul3A_156 : vector<16xf32>
      %min3A = vector.broadcast %jit3A_158 : f32 to vector<16xf32>
      %min3A_161 = arith.minimumf %min3A, %max3A_160 : vector<16xf32>
      %add3A_162 = arith.constant 1.000000e+00 : f32
      %add3A_163 = vector.broadcast %add3A_162 : f32 to vector<16xf32>
      %add3A_164 = arith.addf %min3A_161, %add3A_163 : vector<16xf32>
      %convert_element_type3A_165 = arith.fptosi %add3A_164 : vector<16xf32> to vector<16xi32>
      %sub3A_166 = arith.constant 1 : i32
      %sub3A_167 = vector.broadcast %sub3A_166 : i32 to vector<16xi32>
      %sub3A_168 = arith.subi %convert_element_type3A_165, %sub3A_167 : vector<16xi32>
      %convert_element_type3A_169 = arith.sitofp %sub3A_168 : vector<16xi32> to vector<16xf32>
      %mul3A_170 = arith.constant 6.250000e-02 : f32
      %mul3A_171 = vector.broadcast %mul3A_170 : f32 to vector<16xf32>
      %mul3A_172 = arith.mulf %convert_element_type3A_169, %mul3A_171 : vector<16xf32>
      %sub3A_173 = arith.constant 2.000000e+00 : f32
      %sub3A_174 = vector.broadcast %sub3A_173 : f32 to vector<16xf32>
      %sub3A_175 = arith.subf %mul3A_172, %sub3A_174 : vector<16xf32>
      %add3A_176 = arith.constant 1 : i32
      %add3A_177 = vector.broadcast %add3A_176 : i32 to vector<16xi32>
      %add3A_178 = arith.addi %sub3A_168, %add3A_177 : vector<16xi32>
      %convert_element_type3A_179 = arith.sitofp %add3A_178 : vector<16xi32> to vector<16xf32>
      %mul3A_180 = arith.constant 6.250000e-02 : f32
      %mul3A_181 = vector.broadcast %mul3A_180 : f32 to vector<16xf32>
      %mul3A_182 = arith.mulf %convert_element_type3A_179, %mul3A_181 : vector<16xf32>
      %sub3A_183 = arith.constant 2.000000e+00 : f32
      %sub3A_184 = vector.broadcast %sub3A_183 : f32 to vector<16xf32>
      %sub3A_185 = arith.subf %mul3A_182, %sub3A_184 : vector<16xf32>
      %lt3A_186 = arith.cmpf olt, %max3A, %sub3A_175 : vector<16xf32>
      %convert_element_type3A_187 = arith.extui %lt3A_186 : vector<16xi1> to vector<16xi32>
      %sub3A_188 = arith.subi %sub3A_168, %convert_element_type3A_187 : vector<16xi32>
      %ge3A = arith.cmpf oge, %max3A, %sub3A_185 : vector<16xf32>
      %convert_element_type3A_189 = arith.extui %ge3A : vector<16xi1> to vector<16xi32>
      %add3A_190 = arith.addi %sub3A_188, %convert_element_type3A_189 : vector<16xi32>
      %jit3A_191 = arith.constant -1 : i32
      %jit3A_192 = arith.constant 63 : i32
      %max3A_193 = vector.broadcast %jit3A_191 : i32 to vector<16xi32>
      %max3A_194 = arith.maxsi %max3A_193, %add3A_190 : vector<16xi32>
      %min3A_195 = vector.broadcast %jit3A_192 : i32 to vector<16xi32>
      %min3A_196 = arith.minsi %min3A_195, %max3A_194 : vector<16xi32>
      %swap3A_197 = arith.index_cast %add3A_145 : i32 to index
      %swap3A_198 = tpu.vector_load %arg8[%swap3A_197] {strides = array<i32>} : memref<4096xi32, #tpu.memory_space<vmem>>, vector<16xi32>,
      tpu.vector_store %arg8[%swap3A_197], %min3A_196 {strides = array<i32>} : memref<4096xi32, #tpu.memory_space<vmem>>, vector<16xi32>,
      %mul3A_199 = arith.constant 32 : i32
      %mul3A_200 = arith.muli %scan3A_141, %mul3A_199 : i32
      %add3A_201 = arith.constant 16 : i32
      %add3A_202 = arith.addi %mul3A_200, %add3A_201 : i32
      %get3A_203 = arith.index_cast %add3A_202 : i32 to index
      %get3A_204 = tpu.vector_load %arg7[%get3A_203] {strides = array<i32>} : memref<4224xf32, #tpu.memory_space<vmem>>, vector<16xf32>,
      %add3A_205 = arith.constant 16 : i32
      %add3A_206 = arith.addi %add3A_202, %add3A_205 : i32
      %get3A_207 = arith.index_cast %add3A_206 : i32 to index
      %get3A_208 = tpu.vector_load %arg6[%get3A_207] {strides = array<i32>} : memref<4224xf32, #tpu.memory_space<vmem>>, vector<16xf32>,
      %max3A_209 = arith.maximumf %get3A_204, %get3A_208 : vector<16xf32>
      %add3A_210 = arith.constant 2.000000e+00 : f32
      %add3A_211 = vector.broadcast %add3A_210 : f32 to vector<16xf32>
      %add3A_212 = arith.addf %max3A_209, %add3A_211 : vector<16xf32>
      %mul3A_213 = arith.constant 1.600000e+01 : f32
      %mul3A_214 = vector.broadcast %mul3A_213 : f32 to vector<16xf32>
      %mul3A_215 = arith.mulf %add3A_212, %mul3A_214 : vector<16xf32>
      %jit3A_216 = arith.constant -1.000000e+00 : f32
      %jit3A_217 = arith.constant 6.400000e+01 : f32
      %max3A_218 = vector.broadcast %jit3A_216 : f32 to vector<16xf32>
      %max3A_219 = arith.maximumf %max3A_218, %mul3A_215 : vector<16xf32>
      %min3A_220 = vector.broadcast %jit3A_217 : f32 to vector<16xf32>
      %min3A_221 = arith.minimumf %min3A_220, %max3A_219 : vector<16xf32>
      %add3A_222 = arith.constant 1.000000e+00 : f32
      %add3A_223 = vector.broadcast %add3A_222 : f32 to vector<16xf32>
      %add3A_224 = arith.addf %min3A_221, %add3A_223 : vector<16xf32>
      %convert_element_type3A_225 = arith.fptosi %add3A_224 : vector<16xf32> to vector<16xi32>
      %sub3A_226 = arith.constant 1 : i32
      %sub3A_227 = vector.broadcast %sub3A_226 : i32 to vector<16xi32>
      %sub3A_228 = arith.subi %convert_element_type3A_225, %sub3A_227 : vector<16xi32>
      %convert_element_type3A_229 = arith.sitofp %sub3A_228 : vector<16xi32> to vector<16xf32>
      %mul3A_230 = arith.constant 6.250000e-02 : f32
      %mul3A_231 = vector.broadcast %mul3A_230 : f32 to vector<16xf32>
      %mul3A_232 = arith.mulf %convert_element_type3A_229, %mul3A_231 : vector<16xf32>
      %sub3A_233 = arith.constant 2.000000e+00 : f32
      %sub3A_234 = vector.broadcast %sub3A_233 : f32 to vector<16xf32>
      %sub3A_235 = arith.subf %mul3A_232, %sub3A_234 : vector<16xf32>
      %add3A_236 = arith.constant 1 : i32
      %add3A_237 = vector.broadcast %add3A_236 : i32 to vector<16xi32>
      %add3A_238 = arith.addi %sub3A_228, %add3A_237 : vector<16xi32>
      %convert_element_type3A_239 = arith.sitofp %add3A_238 : vector<16xi32> to vector<16xf32>
      %mul3A_240 = arith.constant 6.250000e-02 : f32
      %mul3A_241 = vector.broadcast %mul3A_240 : f32 to vector<16xf32>
      %mul3A_242 = arith.mulf %convert_element_type3A_239, %mul3A_241 : vector<16xf32>
      %sub3A_243 = arith.constant 2.000000e+00 : f32
      %sub3A_244 = vector.broadcast %sub3A_243 : f32 to vector<16xf32>
      %sub3A_245 = arith.subf %mul3A_242, %sub3A_244 : vector<16xf32>
      %lt3A_246 = arith.cmpf olt, %max3A_209, %sub3A_235 : vector<16xf32>
      %convert_element_type3A_247 = arith.extui %lt3A_246 : vector<16xi1> to vector<16xi32>
      %sub3A_248 = arith.subi %sub3A_228, %convert_element_type3A_247 : vector<16xi32>
      %ge3A_249 = arith.cmpf oge, %max3A_209, %sub3A_245 : vector<16xf32>
      %convert_element_type3A_250 = arith.extui %ge3A_249 : vector<16xi1> to vector<16xi32>
      %add3A_251 = arith.addi %sub3A_248, %convert_element_type3A_250 : vector<16xi32>
      %jit3A_252 = arith.constant -1 : i32
      %jit3A_253 = arith.constant 63 : i32
      %max3A_254 = vector.broadcast %jit3A_252 : i32 to vector<16xi32>
      %max3A_255 = arith.maxsi %max3A_254, %add3A_251 : vector<16xi32>
      %min3A_256 = vector.broadcast %jit3A_253 : i32 to vector<16xi32>
      %min3A_257 = arith.minsi %min3A_256, %max3A_255 : vector<16xi32>
      %swap3A_258 = arith.index_cast %add3A_202 : i32 to index
      %swap3A_259 = tpu.vector_load %arg8[%swap3A_258] {strides = array<i32>} : memref<4096xi32, #tpu.memory_space<vmem>>, vector<16xi32>,
      tpu.vector_store %arg8[%swap3A_258], %min3A_257 {strides = array<i32>} : memref<4096xi32, #tpu.memory_space<vmem>>, vector<16xi32>,
    }
    %scan3A_138 = arith.constant 128 : i32
    %mul3A_139 = arith.constant 4096 : i32
    %mul3A_140 = arith.muli %select_n3A_30, %mul3A_139 : i32
    %run_scoped3A = arith.constant 0 : i32
    "tpu.region"() ({
      %run_scoped3A_141 = tpu.sem_alloc : memref<!tpu.dma_semaphore, #tpu.memory_space<semaphore_mem>>
      %dma_start3A = tpu.memref_slice %arg3[%select_n3A_9, %run_scoped3A, %mul3A_140] : memref<16x1x8192xi32, #tpu.memory_space<hbm>> -> memref<1x1x4096xi32, #tpu.memory_space<hbm>>
      %dma_start3A_142 = tpu.memref_squeeze %dma_start3A : memref<1x1x4096xi32, #tpu.memory_space<hbm>> -> memref<4096xi32, #tpu.memory_space<hbm>>
      %dma_start3A_143 = tpu.memref_slice %arg3[%select_n3A_9, %run_scoped3A, %mul3A_140] : memref<16x1x8192xi32, #tpu.memory_space<hbm>> -> memref<1x1x4096xi32, #tpu.memory_space<hbm>>
      %dma_start3A_144 = tpu.memref_squeeze %dma_start3A_143 : memref<1x1x4096xi32, #tpu.memory_space<hbm>> -> memref<4096xi32, #tpu.memory_space<hbm>>
      tpu.enqueue_dma source(%arg8 : memref<4096xi32, #tpu.memory_space<vmem>>) target(%dma_start3A_144 : memref<4096xi32, #tpu.memory_space<hbm>>) target_semaphore(%run_scoped3A_141 : memref<!tpu.dma_semaphore, #tpu.memory_space<semaphore_mem>>)
      %dma_wait3A = tpu.memref_slice %arg3[%select_n3A_9, %run_scoped3A, %mul3A_140] : memref<16x1x8192xi32, #tpu.memory_space<hbm>> -> memref<1x1x4096xi32, #tpu.memory_space<hbm>>
      %dma_wait3A_145 = tpu.memref_squeeze %dma_wait3A : memref<1x1x4096xi32, #tpu.memory_space<hbm>> -> memref<4096xi32, #tpu.memory_space<hbm>>
      %dma_wait3A_146 = tpu.memref_slice %arg3[%select_n3A_9, %run_scoped3A, %mul3A_140] : memref<16x1x8192xi32, #tpu.memory_space<hbm>> -> memref<1x1x4096xi32, #tpu.memory_space<hbm>>
      %dma_wait3A_147 = tpu.memref_squeeze %dma_wait3A_146 : memref<1x1x4096xi32, #tpu.memory_space<hbm>> -> memref<4096xi32, #tpu.memory_space<hbm>>
      tpu.wait_dma2 semaphore(%run_scoped3A_141 : memref<!tpu.dma_semaphore, #tpu.memory_space<semaphore_mem>>) src(%arg8 : memref<4096xi32, #tpu.memory_space<vmem>>) dst(%dma_wait3A_147 : memref<4096xi32, #tpu.memory_space<hbm>>)
      tpu.yield
    }) : () -> ()
    return
  }
}

#map = affine_map<(d0, d1) -> (0, 0)>
#map1 = affine_map<(d0, d1) -> (0, 0, 0)>
module attributes {stable_mosaic.version = 14 : i64} {
  func.func @_sc_bins_half(%arg0: i32, %arg1: i32, %arg2: memref<32x32768xf32, #tpu.memory_space<hbm>>, %arg3: memref<16x1x8192xi32, #tpu.memory_space<hbm>>, %arg4: memref<16512xf32, #tpu.memory_space<vmem>>, %arg5: memref<4224xf32, #tpu.memory_space<vmem>>, %arg6: memref<4224xf32, #tpu.memory_space<vmem>>, %arg7: memref<4224xf32, #tpu.memory_space<vmem>>, %arg8: memref<4096xi32, #tpu.memory_space<vmem>>) attributes {dimension_semantics = [#tpu.dimension_semantics<core_parallel>, #tpu.dimension_semantics<subcore_parallel>], iteration_bounds = array<i64: 2, 16>, scalar_prefetch = 0 : i64, scratch_operands = 5 : i64, tpu.core_type = #tpu.core_type<sc_vector_subcore>, window_params = [{transform_indices = #map}, {transform_indices = #map1}]} {
    %mul3A = arith.constant 2 : i32
    %mul3A_0 = arith.muli %arg1, %mul3A : i32
    %add3A = arith.addi %mul3A_0, %arg0 : i32
    %jit3A = arith.constant 16 : i32
    %eq3A = arith.constant 0 : i32
    %eq3A_1 = arith.cmpi eq, %jit3A, %eq3A : i32
    %jit3A_2 = arith.constant 1 : i32
    %select_n3A = arith.select %eq3A_1, %jit3A_2, %jit3A : i32
    %rem3A = arith.remsi %add3A, %select_n3A : i32
    %ne3A = arith.constant 0 : i32
    %ne3A_3 = arith.cmpi ne, %rem3A, %ne3A : i32
    %lt3A = arith.constant 0 : i32
    %lt3A_4 = arith.cmpi slt, %rem3A, %lt3A : i32
    %lt3A_5 = arith.constant 0 : i32
    %lt3A_6 = arith.cmpi slt, %select_n3A, %lt3A_5 : i32
    %ne3A_7 = arith.xori %lt3A_4, %lt3A_6 : i1
    %and3A = arith.andi %ne3A_7, %ne3A_3 : i1
    %add3A_8 = arith.addi %rem3A, %select_n3A : i32
    %select_n3A_9 = arith.select %and3A, %add3A_8, %rem3A : i32
    %jit3A_10 = arith.constant 16 : i32
    %div3A = arith.divsi %add3A, %jit3A_10 : i32
    %sign3A = arith.constant 0 : i32
    %sign3A_11 = arith.cmpi sgt, %add3A, %sign3A : i32
    %sign3A_12 = arith.extui %sign3A_11 : i1 to i32
    %sign3A_13 = arith.constant 0 : i32
    %sign3A_14 = arith.cmpi slt, %add3A, %sign3A_13 : i32
    %sign3A_15 = arith.extui %sign3A_14 : i1 to i32
    %sign3A_16 = arith.subi %sign3A_12, %sign3A_15 : i32
    %sign3A_17 = arith.constant 0 : i32
    %sign3A_18 = arith.cmpi sgt, %jit3A_10, %sign3A_17 : i32
    %sign3A_19 = arith.extui %sign3A_18 : i1 to i32
    %sign3A_20 = arith.constant 0 : i32
    %sign3A_21 = arith.cmpi slt, %jit3A_10, %sign3A_20 : i32
    %sign3A_22 = arith.extui %sign3A_21 : i1 to i32
    %sign3A_23 = arith.subi %sign3A_19, %sign3A_22 : i32
    %ne3A_24 = arith.cmpi ne, %sign3A_16, %sign3A_23 : i32
    %rem3A_25 = arith.remsi %add3A, %jit3A_10 : i32
    %ne3A_26 = arith.constant 0 : i32
    %ne3A_27 = arith.cmpi ne, %rem3A_25, %ne3A_26 : i32
    %and3A_28 = arith.andi %ne3A_24, %ne3A_27 : i1
    %sub3A = arith.constant 1 : i32
    %sub3A_29 = arith.subi %div3A, %sub3A : i32
    %select_n3A_30 = arith.select %and3A_28, %sub3A_29, %div3A : i32
    %add3A_31 = arith.constant 16 : i32
    %add3A_32 = arith.addi %add3A_31, %select_n3A_9 : i32
    %mul3A_33 = arith.constant 4096 : i32
    %mul3A_34 = arith.muli %select_n3A_30, %mul3A_33 : i32
    %mul3A_35 = arith.constant 4 : i32
    %mul3A_36 = arith.muli %mul3A_34, %mul3A_35 : i32
    %iota3A = tpu.iota {dimensions = array<i32: 0>} : vector<16xi32>
    %broadcast_in_dim3A = arith.constant 0xFF800000 : f32
    %broadcast_in_dim3A_37 = vector.broadcast %broadcast_in_dim3A : f32 to vector<16xf32>
    %eq3A_38 = arith.constant 0 : i32
    %eq3A_39 = arith.cmpi eq, %select_n3A_30, %eq3A_38 : i32
    %convert_element_type3A = arith.extui %eq3A_39 : i1 to i32
    %cond3A = arith.constant 0 : i32
    %cond3A_40 = arith.cmpi ne, %convert_element_type3A, %cond3A : i32
    scf.if %cond3A_40 {
      "tpu.region"() ({
        %run_scoped3A_141 = tpu.sem_alloc : memref<!tpu.dma_semaphore, #tpu.memory_space<semaphore_mem>>
        %dma_start3A = arith.constant 0 : i32
        %dma_start3A_142 = tpu.memref_slice %arg4[%dma_start3A] : memref<16512xf32, #tpu.memory_space<vmem>> -> memref<16512xf32, #tpu.memory_space<vmem>>
        %dma_start3A_143 = arith.constant 0 : i32
        %dma_start3A_144 = tpu.memref_slice %arg2[%add3A_32, %dma_start3A_143] : memref<32x32768xf32, #tpu.memory_space<hbm>> -> memref<1x16512xf32, #tpu.memory_space<hbm>>
        %dma_start3A_145 = tpu.memref_squeeze %dma_start3A_144 : memref<1x16512xf32, #tpu.memory_space<hbm>> -> memref<16512xf32, #tpu.memory_space<hbm>>
        %dma_start3A_146 = arith.constant 0 : i32
        %dma_start3A_147 = tpu.memref_slice %arg4[%dma_start3A_146] : memref<16512xf32, #tpu.memory_space<vmem>> -> memref<16512xf32, #tpu.memory_space<vmem>>
        %dma_start3A_148 = arith.constant 0 : i32
        %dma_start3A_149 = tpu.memref_slice %arg2[%add3A_32, %dma_start3A_148] : memref<32x32768xf32, #tpu.memory_space<hbm>> -> memref<1x16512xf32, #tpu.memory_space<hbm>>
        %dma_start3A_150 = tpu.memref_squeeze %dma_start3A_149 : memref<1x16512xf32, #tpu.memory_space<hbm>> -> memref<16512xf32, #tpu.memory_space<hbm>>
        tpu.enqueue_dma source(%dma_start3A_150 : memref<16512xf32, #tpu.memory_space<hbm>>) target(%dma_start3A_147 : memref<16512xf32, #tpu.memory_space<vmem>>) target_semaphore(%run_scoped3A_141 : memref<!tpu.dma_semaphore, #tpu.memory_space<semaphore_mem>>)
        %dma_wait3A = arith.constant 0 : i32
        %dma_wait3A_151 = tpu.memref_slice %arg4[%dma_wait3A] : memref<16512xf32, #tpu.memory_space<vmem>> -> memref<16512xf32, #tpu.memory_space<vmem>>
        %dma_wait3A_152 = arith.constant 0 : i32
        %dma_wait3A_153 = tpu.memref_slice %arg2[%add3A_32, %dma_wait3A_152] : memref<32x32768xf32, #tpu.memory_space<hbm>> -> memref<1x16512xf32, #tpu.memory_space<hbm>>
        %dma_wait3A_154 = tpu.memref_squeeze %dma_wait3A_153 : memref<1x16512xf32, #tpu.memory_space<hbm>> -> memref<16512xf32, #tpu.memory_space<hbm>>
        %dma_wait3A_155 = arith.constant 0 : i32
        %dma_wait3A_156 = tpu.memref_slice %arg4[%dma_wait3A_155] : memref<16512xf32, #tpu.memory_space<vmem>> -> memref<16512xf32, #tpu.memory_space<vmem>>
        %dma_wait3A_157 = arith.constant 0 : i32
        %dma_wait3A_158 = tpu.memref_slice %arg2[%add3A_32, %dma_wait3A_157] : memref<32x32768xf32, #tpu.memory_space<hbm>> -> memref<1x16512xf32, #tpu.memory_space<hbm>>
        %dma_wait3A_159 = tpu.memref_squeeze %dma_wait3A_158 : memref<1x16512xf32, #tpu.memory_space<hbm>> -> memref<16512xf32, #tpu.memory_space<hbm>>
        tpu.wait_dma2 semaphore(%run_scoped3A_141 : memref<!tpu.dma_semaphore, #tpu.memory_space<semaphore_mem>>) src(%dma_wait3A_159 : memref<16512xf32, #tpu.memory_space<hbm>>) dst(%dma_wait3A_156 : memref<16512xf32, #tpu.memory_space<vmem>>)
        tpu.yield
      }) : () -> ()
    } else {
    }
    %eq3A_41 = arith.constant 1 : i32
    %eq3A_42 = arith.cmpi eq, %select_n3A_30, %eq3A_41 : i32
    %convert_element_type3A_43 = arith.extui %eq3A_42 : i1 to i32
    %cond3A_44 = arith.constant 0 : i32
    %cond3A_45 = arith.cmpi ne, %convert_element_type3A_43, %cond3A_44 : i32
    scf.if %cond3A_45 {
      "tpu.region"() ({
        %run_scoped3A_141 = tpu.sem_alloc : memref<!tpu.dma_semaphore, #tpu.memory_space<semaphore_mem>>
        %dma_start3A = arith.constant 0 : i32
        %dma_start3A_142 = tpu.memref_slice %arg4[%dma_start3A] : memref<16512xf32, #tpu.memory_space<vmem>> -> memref<16384xf32, #tpu.memory_space<vmem>>
        %dma_start3A_143 = arith.constant 16384 : i32
        %dma_start3A_144 = tpu.memref_slice %arg2[%add3A_32, %dma_start3A_143] : memref<32x32768xf32, #tpu.memory_space<hbm>> -> memref<1x16384xf32, #tpu.memory_space<hbm>>
        %dma_start3A_145 = tpu.memref_squeeze %dma_start3A_144 : memref<1x16384xf32, #tpu.memory_space<hbm>> -> memref<16384xf32, #tpu.memory_space<hbm>>
        %dma_start3A_146 = arith.constant 0 : i32
        %dma_start3A_147 = tpu.memref_slice %arg4[%dma_start3A_146] : memref<16512xf32, #tpu.memory_space<vmem>> -> memref<16384xf32, #tpu.memory_space<vmem>>
        %dma_start3A_148 = arith.constant 16384 : i32
        %dma_start3A_149 = tpu.memref_slice %arg2[%add3A_32, %dma_start3A_148] : memref<32x32768xf32, #tpu.memory_space<hbm>> -> memref<1x16384xf32, #tpu.memory_space<hbm>>
        %dma_start3A_150 = tpu.memref_squeeze %dma_start3A_149 : memref<1x16384xf32, #tpu.memory_space<hbm>> -> memref<16384xf32, #tpu.memory_space<hbm>>
        tpu.enqueue_dma source(%dma_start3A_150 : memref<16384xf32, #tpu.memory_space<hbm>>) target(%dma_start3A_147 : memref<16384xf32, #tpu.memory_space<vmem>>) target_semaphore(%run_scoped3A_141 : memref<!tpu.dma_semaphore, #tpu.memory_space<semaphore_mem>>)
        %dma_wait3A = arith.constant 0 : i32
        %dma_wait3A_151 = tpu.memref_slice %arg4[%dma_wait3A] : memref<16512xf32, #tpu.memory_space<vmem>> -> memref<16384xf32, #tpu.memory_space<vmem>>
        %dma_wait3A_152 = arith.constant 16384 : i32
        %dma_wait3A_153 = tpu.memref_slice %arg2[%add3A_32, %dma_wait3A_152] : memref<32x32768xf32, #tpu.memory_space<hbm>> -> memref<1x16384xf32, #tpu.memory_space<hbm>>
        %dma_wait3A_154 = tpu.memref_squeeze %dma_wait3A_153 : memref<1x16384xf32, #tpu.memory_space<hbm>> -> memref<16384xf32, #tpu.memory_space<hbm>>
        %dma_wait3A_155 = arith.constant 0 : i32
        %dma_wait3A_156 = tpu.memref_slice %arg4[%dma_wait3A_155] : memref<16512xf32, #tpu.memory_space<vmem>> -> memref<16384xf32, #tpu.memory_space<vmem>>
        %dma_wait3A_157 = arith.constant 16384 : i32
        %dma_wait3A_158 = tpu.memref_slice %arg2[%add3A_32, %dma_wait3A_157] : memref<32x32768xf32, #tpu.memory_space<hbm>> -> memref<1x16384xf32, #tpu.memory_space<hbm>>
        %dma_wait3A_159 = tpu.memref_squeeze %dma_wait3A_158 : memref<1x16384xf32, #tpu.memory_space<hbm>> -> memref<16384xf32, #tpu.memory_space<hbm>>
        tpu.wait_dma2 semaphore(%run_scoped3A_141 : memref<!tpu.dma_semaphore, #tpu.memory_space<semaphore_mem>>) src(%dma_wait3A_159 : memref<16384xf32, #tpu.memory_space<hbm>>) dst(%dma_wait3A_156 : memref<16384xf32, #tpu.memory_space<vmem>>)
        tpu.yield
      }) : () -> ()
    } else {
    }
    %scan3A = arith.constant 0 : i32
    %scan3A_46 = arith.constant 0 : i32
    %scan3A_47 = arith.constant 64 : i32
    %scan3A_48 = arith.addi %scan3A_46, %scan3A_47 : i32
    %scan3A_49 = arith.constant 1 : i32
    scf.for %scan3A_141 = %scan3A_46 to %scan3A_48 step %scan3A_49  : i32 {
      %mul3A_142 = arith.constant 64 : i32
      %mul3A_143 = arith.muli %scan3A_141, %mul3A_142 : i32
      %add3A_144 = arith.constant 0 : i32
      %add3A_145 = arith.addi %mul3A_143, %add3A_144 : i32
      %add3A_146 = vector.broadcast %add3A_145 : i32 to vector<16xi32>
      %add3A_147 = arith.addi %add3A_146, %iota3A : vector<16xi32>
      %mul3A_148 = arith.constant 4 : i32
      %mul3A_149 = vector.broadcast %mul3A_148 : i32 to vector<16xi32>
      %mul3A_150 = arith.muli %add3A_147, %mul3A_149 : vector<16xi32>
      %add3A_151 = arith.constant 1 : i32
      %add3A_152 = vector.broadcast %add3A_151 : i32 to vector<16xi32>
      %add3A_153 = arith.addi %mul3A_150, %add3A_152 : vector<16xi32>
      %gather3A_154 = tpu.vector_load_idx %arg4[%add3A_153] : memref<16512xf32, #tpu.memory_space<vmem>>[vector<16xi32>], vector<16xf32>,
      %add3A_155 = arith.constant 0 : i32
      %add3A_156 = arith.addi %mul3A_143, %add3A_155 : i32
      %swap3A_157 = arith.index_cast %add3A_156 : i32 to index
      %swap3A_158 = tpu.vector_load %arg5[%swap3A_157] {strides = array<i32>} : memref<4224xf32, #tpu.memory_space<vmem>>, vector<16xf32>,
      tpu.vector_store %arg5[%swap3A_157], %gather3A_154 {strides = array<i32>} : memref<4224xf32, #tpu.memory_space<vmem>>, vector<16xf32>,
      %add3A_159 = arith.constant 16 : i32
      %add3A_160 = arith.addi %mul3A_143, %add3A_159 : i32
      %add3A_161 = vector.broadcast %add3A_160 : i32 to vector<16xi32>
      %add3A_162 = arith.addi %add3A_161, %iota3A : vector<16xi32>
      %mul3A_163 = arith.constant 4 : i32
      %mul3A_164 = vector.broadcast %mul3A_163 : i32 to vector<16xi32>
      %mul3A_165 = arith.muli %add3A_162, %mul3A_164 : vector<16xi32>
      %add3A_166 = arith.constant 1 : i32
      %add3A_167 = vector.broadcast %add3A_166 : i32 to vector<16xi32>
      %add3A_168 = arith.addi %mul3A_165, %add3A_167 : vector<16xi32>
      %gather3A_169 = tpu.vector_load_idx %arg4[%add3A_168] : memref<16512xf32, #tpu.memory_space<vmem>>[vector<16xi32>], vector<16xf32>,
      %add3A_170 = arith.constant 16 : i32
      %add3A_171 = arith.addi %mul3A_143, %add3A_170 : i32
      %swap3A_172 = arith.index_cast %add3A_171 : i32 to index
      %swap3A_173 = tpu.vector_load %arg5[%swap3A_172] {strides = array<i32>} : memref<4224xf32, #tpu.memory_space<vmem>>, vector<16xf32>,
      tpu.vector_store %arg5[%swap3A_172], %gather3A_169 {strides = array<i32>} : memref<4224xf32, #tpu.memory_space<vmem>>, vector<16xf32>,
      %add3A_174 = arith.constant 32 : i32
      %add3A_175 = arith.addi %mul3A_143, %add3A_174 : i32
      %add3A_176 = vector.broadcast %add3A_175 : i32 to vector<16xi32>
      %add3A_177 = arith.addi %add3A_176, %iota3A : vector<16xi32>
      %mul3A_178 = arith.constant 4 : i32
      %mul3A_179 = vector.broadcast %mul3A_178 : i32 to vector<16xi32>
      %mul3A_180 = arith.muli %add3A_177, %mul3A_179 : vector<16xi32>
      %add3A_181 = arith.constant 1 : i32
      %add3A_182 = vector.broadcast %add3A_181 : i32 to vector<16xi32>
      %add3A_183 = arith.addi %mul3A_180, %add3A_182 : vector<16xi32>
      %gather3A_184 = tpu.vector_load_idx %arg4[%add3A_183] : memref<16512xf32, #tpu.memory_space<vmem>>[vector<16xi32>], vector<16xf32>,
      %add3A_185 = arith.constant 32 : i32
      %add3A_186 = arith.addi %mul3A_143, %add3A_185 : i32
      %swap3A_187 = arith.index_cast %add3A_186 : i32 to index
      %swap3A_188 = tpu.vector_load %arg5[%swap3A_187] {strides = array<i32>} : memref<4224xf32, #tpu.memory_space<vmem>>, vector<16xf32>,
      tpu.vector_store %arg5[%swap3A_187], %gather3A_184 {strides = array<i32>} : memref<4224xf32, #tpu.memory_space<vmem>>, vector<16xf32>,
      %add3A_189 = arith.constant 48 : i32
      %add3A_190 = arith.addi %mul3A_143, %add3A_189 : i32
      %add3A_191 = vector.broadcast %add3A_190 : i32 to vector<16xi32>
      %add3A_192 = arith.addi %add3A_191, %iota3A : vector<16xi32>
      %mul3A_193 = arith.constant 4 : i32
      %mul3A_194 = vector.broadcast %mul3A_193 : i32 to vector<16xi32>
      %mul3A_195 = arith.muli %add3A_192, %mul3A_194 : vector<16xi32>
      %add3A_196 = arith.constant 1 : i32
      %add3A_197 = vector.broadcast %add3A_196 : i32 to vector<16xi32>
      %add3A_198 = arith.addi %mul3A_195, %add3A_197 : vector<16xi32>
      %gather3A_199 = tpu.vector_load_idx %arg4[%add3A_198] : memref<16512xf32, #tpu.memory_space<vmem>>[vector<16xi32>], vector<16xf32>,
      %add3A_200 = arith.constant 48 : i32
      %add3A_201 = arith.addi %mul3A_143, %add3A_200 : i32
      %swap3A_202 = arith.index_cast %add3A_201 : i32 to index
      %swap3A_203 = tpu.vector_load %arg5[%swap3A_202] {strides = array<i32>} : memref<4224xf32, #tpu.memory_space<vmem>>, vector<16xf32>,
      tpu.vector_store %arg5[%swap3A_202], %gather3A_199 {strides = array<i32>} : memref<4224xf32, #tpu.memory_space<vmem>>, vector<16xf32>,
    }
    %scan3A_50 = arith.constant 64 : i32
    %add3A_51 = arith.constant 4096 : i32
    %add3A_52 = vector.broadcast %add3A_51 : i32 to vector<16xi32>
    %add3A_53 = arith.addi %add3A_52, %iota3A : vector<16xi32>
    %mul3A_54 = arith.constant 4 : i32
    %mul3A_55 = vector.broadcast %mul3A_54 : i32 to vector<16xi32>
    %mul3A_56 = arith.muli %add3A_53, %mul3A_55 : vector<16xi32>
    %add3A_57 = arith.constant 1 : i32
    %add3A_58 = vector.broadcast %add3A_57 : i32 to vector<16xi32>
    %add3A_59 = arith.addi %mul3A_56, %add3A_58 : vector<16xi32>
    %gather3A = tpu.vector_load_idx %arg4[%add3A_59] : memref<16512xf32, #tpu.memory_space<vmem>>[vector<16xi32>], vector<16xf32>,
    %swap3A = arith.constant 4096 : index
    %swap3A_60 = tpu.vector_load %arg5[%swap3A] {strides = array<i32>} : memref<4224xf32, #tpu.memory_space<vmem>>, vector<16xf32>,
    tpu.vector_store %arg5[%swap3A], %gather3A {strides = array<i32>} : memref<4224xf32, #tpu.memory_space<vmem>>, vector<16xf32>,
    %add3A_61 = arith.constant 4112 : i32
    %add3A_62 = vector.broadcast %add3A_61 : i32 to vector<16xi32>
    %add3A_63 = arith.addi %add3A_62, %iota3A : vector<16xi32>
    %mul3A_64 = arith.constant 4 : i32
    %mul3A_65 = vector.broadcast %mul3A_64 : i32 to vector<16xi32>
    %mul3A_66 = arith.muli %add3A_63, %mul3A_65 : vector<16xi32>
    %add3A_67 = arith.constant 1 : i32
    %add3A_68 = vector.broadcast %add3A_67 : i32 to vector<16xi32>
    %add3A_69 = arith.addi %mul3A_66, %add3A_68 : vector<16xi32>
    %gather3A_70 = tpu.vector_load_idx %arg4[%add3A_69] : memref<16512xf32, #tpu.memory_space<vmem>>[vector<16xi32>], vector<16xf32>,
    %swap3A_71 = arith.constant 4112 : index
    %swap3A_72 = tpu.vector_load %arg5[%swap3A_71] {strides = array<i32>} : memref<4224xf32, #tpu.memory_space<vmem>>, vector<16xf32>,
    tpu.vector_store %arg5[%swap3A_71], %gather3A_70 {strides = array<i32>} : memref<4224xf32, #tpu.memory_space<vmem>>, vector<16xf32>,
    %swap3A_73 = arith.constant 4128 : index
    %swap3A_74 = tpu.vector_load %arg5[%swap3A_73] {strides = array<i32>} : memref<4224xf32, #tpu.memory_space<vmem>>, vector<16xf32>,
    tpu.vector_store %arg5[%swap3A_73], %broadcast_in_dim3A_37 {strides = array<i32>} : memref<4224xf32, #tpu.memory_space<vmem>>, vector<16xf32>,
    %swap3A_75 = arith.constant 4128 : index
    %swap3A_76 = tpu.vector_load %arg6[%swap3A_75] {strides = array<i32>} : memref<4224xf32, #tpu.memory_space<vmem>>, vector<16xf32>,
    tpu.vector_store %arg6[%swap3A_75], %broadcast_in_dim3A_37 {strides = array<i32>} : memref<4224xf32, #tpu.memory_space<vmem>>, vector<16xf32>,
    %swap3A_77 = arith.constant 4128 : index
    %swap3A_78 = tpu.vector_load %arg7[%swap3A_77] {strides = array<i32>} : memref<4224xf32, #tpu.memory_space<vmem>>, vector<16xf32>,
    tpu.vector_store %arg7[%swap3A_77], %broadcast_in_dim3A_37 {strides = array<i32>} : memref<4224xf32, #tpu.memory_space<vmem>>, vector<16xf32>,
    %swap3A_79 = arith.constant 4144 : index
    %swap3A_80 = tpu.vector_load %arg5[%swap3A_79] {strides = array<i32>} : memref<4224xf32, #tpu.memory_space<vmem>>, vector<16xf32>,
    tpu.vector_store %arg5[%swap3A_79], %broadcast_in_dim3A_37 {strides = array<i32>} : memref<4224xf32, #tpu.memory_space<vmem>>, vector<16xf32>,
    %swap3A_81 = arith.constant 4144 : index
    %swap3A_82 = tpu.vector_load %arg6[%swap3A_81] {strides = array<i32>} : memref<4224xf32, #tpu.memory_space<vmem>>, vector<16xf32>,
    tpu.vector_store %arg6[%swap3A_81], %broadcast_in_dim3A_37 {strides = array<i32>} : memref<4224xf32, #tpu.memory_space<vmem>>, vector<16xf32>,
    %swap3A_83 = arith.constant 4144 : index
    %swap3A_84 = tpu.vector_load %arg7[%swap3A_83] {strides = array<i32>} : memref<4224xf32, #tpu.memory_space<vmem>>, vector<16xf32>,
    tpu.vector_store %arg7[%swap3A_83], %broadcast_in_dim3A_37 {strides = array<i32>} : memref<4224xf32, #tpu.memory_space<vmem>>, vector<16xf32>,
    %swap3A_85 = arith.constant 4160 : index
    %swap3A_86 = tpu.vector_load %arg5[%swap3A_85] {strides = array<i32>} : memref<4224xf32, #tpu.memory_space<vmem>>, vector<16xf32>,
    tpu.vector_store %arg5[%swap3A_85], %broadcast_in_dim3A_37 {strides = array<i32>} : memref<4224xf32, #tpu.memory_space<vmem>>, vector<16xf32>,
    %swap3A_87 = arith.constant 4160 : index
    %swap3A_88 = tpu.vector_load %arg6[%swap3A_87] {strides = array<i32>} : memref<4224xf32, #tpu.memory_space<vmem>>, vector<16xf32>,
    tpu.vector_store %arg6[%swap3A_87], %broadcast_in_dim3A_37 {strides = array<i32>} : memref<4224xf32, #tpu.memory_space<vmem>>, vector<16xf32>,
    %swap3A_89 = arith.constant 4160 : index
    %swap3A_90 = tpu.vector_load %arg7[%swap3A_89] {strides = array<i32>} : memref<4224xf32, #tpu.memory_space<vmem>>, vector<16xf32>,
    tpu.vector_store %arg7[%swap3A_89], %broadcast_in_dim3A_37 {strides = array<i32>} : memref<4224xf32, #tpu.memory_space<vmem>>, vector<16xf32>,
    %swap3A_91 = arith.constant 4176 : index
    %swap3A_92 = tpu.vector_load %arg5[%swap3A_91] {strides = array<i32>} : memref<4224xf32, #tpu.memory_space<vmem>>, vector<16xf32>,
    tpu.vector_store %arg5[%swap3A_91], %broadcast_in_dim3A_37 {strides = array<i32>} : memref<4224xf32, #tpu.memory_space<vmem>>, vector<16xf32>,
    %swap3A_93 = arith.constant 4176 : index
    %swap3A_94 = tpu.vector_load %arg6[%swap3A_93] {strides = array<i32>} : memref<4224xf32, #tpu.memory_space<vmem>>, vector<16xf32>,
    tpu.vector_store %arg6[%swap3A_93], %broadcast_in_dim3A_37 {strides = array<i32>} : memref<4224xf32, #tpu.memory_space<vmem>>, vector<16xf32>,
    %swap3A_95 = arith.constant 4176 : index
    %swap3A_96 = tpu.vector_load %arg7[%swap3A_95] {strides = array<i32>} : memref<4224xf32, #tpu.memory_space<vmem>>, vector<16xf32>,
    tpu.vector_store %arg7[%swap3A_95], %broadcast_in_dim3A_37 {strides = array<i32>} : memref<4224xf32, #tpu.memory_space<vmem>>, vector<16xf32>,
    %swap3A_97 = arith.constant 4192 : index
    %swap3A_98 = tpu.vector_load %arg5[%swap3A_97] {strides = array<i32>} : memref<4224xf32, #tpu.memory_space<vmem>>, vector<16xf32>,
    tpu.vector_store %arg5[%swap3A_97], %broadcast_in_dim3A_37 {strides = array<i32>} : memref<4224xf32, #tpu.memory_space<vmem>>, vector<16xf32>,
    %swap3A_99 = arith.constant 4192 : index
    %swap3A_100 = tpu.vector_load %arg6[%swap3A_99] {strides = array<i32>} : memref<4224xf32, #tpu.memory_space<vmem>>, vector<16xf32>,
    tpu.vector_store %arg6[%swap3A_99], %broadcast_in_dim3A_37 {strides = array<i32>} : memref<4224xf32, #tpu.memory_space<vmem>>, vector<16xf32>,
    %swap3A_101 = arith.constant 4192 : index
    %swap3A_102 = tpu.vector_load %arg7[%swap3A_101] {strides = array<i32>} : memref<4224xf32, #tpu.memory_space<vmem>>, vector<16xf32>,
    tpu.vector_store %arg7[%swap3A_101], %broadcast_in_dim3A_37 {strides = array<i32>} : memref<4224xf32, #tpu.memory_space<vmem>>, vector<16xf32>,
    %swap3A_103 = arith.constant 4208 : index
    %swap3A_104 = tpu.vector_load %arg5[%swap3A_103] {strides = array<i32>} : memref<4224xf32, #tpu.memory_space<vmem>>, vector<16xf32>,
    tpu.vector_store %arg5[%swap3A_103], %broadcast_in_dim3A_37 {strides = array<i32>} : memref<4224xf32, #tpu.memory_space<vmem>>, vector<16xf32>,
    %swap3A_105 = arith.constant 4208 : index
    %swap3A_106 = tpu.vector_load %arg6[%swap3A_105] {strides = array<i32>} : memref<4224xf32, #tpu.memory_space<vmem>>, vector<16xf32>,
    tpu.vector_store %arg6[%swap3A_105], %broadcast_in_dim3A_37 {strides = array<i32>} : memref<4224xf32, #tpu.memory_space<vmem>>, vector<16xf32>,
    %swap3A_107 = arith.constant 4208 : index
    %swap3A_108 = tpu.vector_load %arg7[%swap3A_107] {strides = array<i32>} : memref<4224xf32, #tpu.memory_space<vmem>>, vector<16xf32>,
    tpu.vector_store %arg7[%swap3A_107], %broadcast_in_dim3A_37 {strides = array<i32>} : memref<4224xf32, #tpu.memory_space<vmem>>, vector<16xf32>,
    %scan3A_109 = arith.constant 0 : i32
    %scan3A_110 = arith.constant 0 : i32
    %scan3A_111 = arith.constant 130 : i32
    %scan3A_112 = arith.addi %scan3A_110, %scan3A_111 : i32
    %scan3A_113 = arith.constant 1 : i32
    scf.for %scan3A_141 = %scan3A_110 to %scan3A_112 step %scan3A_113  : i32 {
      %mul3A_142 = arith.constant 32 : i32
      %mul3A_143 = arith.muli %scan3A_141, %mul3A_142 : i32
      %get3A = arith.index_cast %mul3A_143 : i32 to index
      %get3A_144 = tpu.vector_load %arg5[%get3A] {strides = array<i32>} : memref<4224xf32, #tpu.memory_space<vmem>>, vector<16xf32>,
      %add3A_145 = arith.constant 1 : i32
      %add3A_146 = arith.addi %mul3A_143, %add3A_145 : i32
      %get3A_147 = arith.index_cast %add3A_146 : i32 to index
      %get3A_148 = tpu.vector_load %arg5[%get3A_147] {strides = array<i32>} : memref<4224xf32, #tpu.memory_space<vmem>>, vector<16xf32>,
      %max3A = arith.maximumf %get3A_144, %get3A_148 : vector<16xf32>
      %swap3A_149 = arith.index_cast %mul3A_143 : i32 to index
      %swap3A_150 = tpu.vector_load %arg6[%swap3A_149] {strides = array<i32>} : memref<4224xf32, #tpu.memory_space<vmem>>, vector<16xf32>,
      tpu.vector_store %arg6[%swap3A_149], %max3A {strides = array<i32>} : memref<4224xf32, #tpu.memory_space<vmem>>, vector<16xf32>,
      %add3A_151 = arith.constant 16 : i32
      %add3A_152 = arith.addi %mul3A_143, %add3A_151 : i32
      %get3A_153 = arith.index_cast %add3A_152 : i32 to index
      %get3A_154 = tpu.vector_load %arg5[%get3A_153] {strides = array<i32>} : memref<4224xf32, #tpu.memory_space<vmem>>, vector<16xf32>,
      %add3A_155 = arith.constant 16 : i32
      %add3A_156 = arith.addi %mul3A_143, %add3A_155 : i32
      %add3A_157 = arith.constant 1 : i32
      %add3A_158 = arith.addi %add3A_156, %add3A_157 : i32
      %get3A_159 = arith.index_cast %add3A_158 : i32 to index
      %get3A_160 = tpu.vector_load %arg5[%get3A_159] {strides = array<i32>} : memref<4224xf32, #tpu.memory_space<vmem>>, vector<16xf32>,
      %max3A_161 = arith.maximumf %get3A_154, %get3A_160 : vector<16xf32>
      %add3A_162 = arith.constant 16 : i32
      %add3A_163 = arith.addi %mul3A_143, %add3A_162 : i32
      %swap3A_164 = arith.index_cast %add3A_163 : i32 to index
      %swap3A_165 = tpu.vector_load %arg6[%swap3A_164] {strides = array<i32>} : memref<4224xf32, #tpu.memory_space<vmem>>, vector<16xf32>,
      tpu.vector_store %arg6[%swap3A_164], %max3A_161 {strides = array<i32>} : memref<4224xf32, #tpu.memory_space<vmem>>, vector<16xf32>,
    }
    %scan3A_114 = arith.constant 130 : i32
    %scan3A_115 = arith.constant 0 : i32
    %scan3A_116 = arith.constant 0 : i32
    %scan3A_117 = arith.constant 130 : i32
    %scan3A_118 = arith.addi %scan3A_116, %scan3A_117 : i32
    %scan3A_119 = arith.constant 1 : i32
    scf.for %scan3A_141 = %scan3A_116 to %scan3A_118 step %scan3A_119  : i32 {
      %mul3A_142 = arith.constant 32 : i32
      %mul3A_143 = arith.muli %scan3A_141, %mul3A_142 : i32
      %get3A = arith.index_cast %mul3A_143 : i32 to index
      %get3A_144 = tpu.vector_load %arg6[%get3A] {strides = array<i32>} : memref<4224xf32, #tpu.memory_space<vmem>>, vector<16xf32>,
      %add3A_145 = arith.constant 2 : i32
      %add3A_146 = arith.addi %mul3A_143, %add3A_145 : i32
      %get3A_147 = arith.index_cast %add3A_146 : i32 to index
      %get3A_148 = tpu.vector_load %arg6[%get3A_147] {strides = array<i32>} : memref<4224xf32, #tpu.memory_space<vmem>>, vector<16xf32>,
      %max3A = arith.maximumf %get3A_144, %get3A_148 : vector<16xf32>
      %swap3A_149 = arith.index_cast %mul3A_143 : i32 to index
      %swap3A_150 = tpu.vector_load %arg7[%swap3A_149] {strides = array<i32>} : memref<4224xf32, #tpu.memory_space<vmem>>, vector<16xf32>,
      tpu.vector_store %arg7[%swap3A_149], %max3A {strides = array<i32>} : memref<4224xf32, #tpu.memory_space<vmem>>, vector<16xf32>,
      %add3A_151 = arith.constant 16 : i32
      %add3A_152 = arith.addi %mul3A_143, %add3A_151 : i32
      %get3A_153 = arith.index_cast %add3A_152 : i32 to index
      %get3A_154 = tpu.vector_load %arg6[%get3A_153] {strides = array<i32>} : memref<4224xf32, #tpu.memory_space<vmem>>, vector<16xf32>,
      %add3A_155 = arith.constant 16 : i32
      %add3A_156 = arith.addi %mul3A_143, %add3A_155 : i32
      %add3A_157 = arith.constant 2 : i32
      %add3A_158 = arith.addi %add3A_156, %add3A_157 : i32
      %get3A_159 = arith.index_cast %add3A_158 : i32 to index
      %get3A_160 = tpu.vector_load %arg6[%get3A_159] {strides = array<i32>} : memref<4224xf32, #tpu.memory_space<vmem>>, vector<16xf32>,
      %max3A_161 = arith.maximumf %get3A_154, %get3A_160 : vector<16xf32>
      %add3A_162 = arith.constant 16 : i32
      %add3A_163 = arith.addi %mul3A_143, %add3A_162 : i32
      %swap3A_164 = arith.index_cast %add3A_163 : i32 to index
      %swap3A_165 = tpu.vector_load %arg7[%swap3A_164] {strides = array<i32>} : memref<4224xf32, #tpu.memory_space<vmem>>, vector<16xf32>,
      tpu.vector_store %arg7[%swap3A_164], %max3A_161 {strides = array<i32>} : memref<4224xf32, #tpu.memory_space<vmem>>, vector<16xf32>,
    }
    %scan3A_120 = arith.constant 130 : i32
    %scan3A_121 = arith.constant 0 : i32
    %scan3A_122 = arith.constant 0 : i32
    %scan3A_123 = arith.constant 130 : i32
    %scan3A_124 = arith.addi %scan3A_122, %scan3A_123 : i32
    %scan3A_125 = arith.constant 1 : i32
    scf.for %scan3A_141 = %scan3A_122 to %scan3A_124 step %scan3A_125  : i32 {
      %mul3A_142 = arith.constant 32 : i32
      %mul3A_143 = arith.muli %scan3A_141, %mul3A_142 : i32
      %get3A = arith.index_cast %mul3A_143 : i32 to index
      %get3A_144 = tpu.vector_load %arg7[%get3A] {strides = array<i32>} : memref<4224xf32, #tpu.memory_space<vmem>>, vector<16xf32>,
      %add3A_145 = arith.constant 4 : i32
      %add3A_146 = arith.addi %mul3A_143, %add3A_145 : i32
      %get3A_147 = arith.index_cast %add3A_146 : i32 to index
      %get3A_148 = tpu.vector_load %arg7[%get3A_147] {strides = array<i32>} : memref<4224xf32, #tpu.memory_space<vmem>>, vector<16xf32>,
      %max3A = arith.maximumf %get3A_144, %get3A_148 : vector<16xf32>
      %swap3A_149 = arith.index_cast %mul3A_143 : i32 to index
      %swap3A_150 = tpu.vector_load %arg6[%swap3A_149] {strides = array<i32>} : memref<4224xf32, #tpu.memory_space<vmem>>, vector<16xf32>,
      tpu.vector_store %arg6[%swap3A_149], %max3A {strides = array<i32>} : memref<4224xf32, #tpu.memory_space<vmem>>, vector<16xf32>,
      %add3A_151 = arith.constant 16 : i32
      %add3A_152 = arith.addi %mul3A_143, %add3A_151 : i32
      %get3A_153 = arith.index_cast %add3A_152 : i32 to index
      %get3A_154 = tpu.vector_load %arg7[%get3A_153] {strides = array<i32>} : memref<4224xf32, #tpu.memory_space<vmem>>, vector<16xf32>,
      %add3A_155 = arith.constant 16 : i32
      %add3A_156 = arith.addi %mul3A_143, %add3A_155 : i32
      %add3A_157 = arith.constant 4 : i32
      %add3A_158 = arith.addi %add3A_156, %add3A_157 : i32
      %get3A_159 = arith.index_cast %add3A_158 : i32 to index
      %get3A_160 = tpu.vector_load %arg7[%get3A_159] {strides = array<i32>} : memref<4224xf32, #tpu.memory_space<vmem>>, vector<16xf32>,
      %max3A_161 = arith.maximumf %get3A_154, %get3A_160 : vector<16xf32>
      %add3A_162 = arith.constant 16 : i32
      %add3A_163 = arith.addi %mul3A_143, %add3A_162 : i32
      %swap3A_164 = arith.index_cast %add3A_163 : i32 to index
      %swap3A_165 = tpu.vector_load %arg6[%swap3A_164] {strides = array<i32>} : memref<4224xf32, #tpu.memory_space<vmem>>, vector<16xf32>,
      tpu.vector_store %arg6[%swap3A_164], %max3A_161 {strides = array<i32>} : memref<4224xf32, #tpu.memory_space<vmem>>, vector<16xf32>,
    }
    %scan3A_126 = arith.constant 130 : i32
    %scan3A_127 = arith.constant 0 : i32
    %scan3A_128 = arith.constant 0 : i32
    %scan3A_129 = arith.constant 130 : i32
    %scan3A_130 = arith.addi %scan3A_128, %scan3A_129 : i32
    %scan3A_131 = arith.constant 1 : i32
    scf.for %scan3A_141 = %scan3A_128 to %scan3A_130 step %scan3A_131  : i32 {
      %mul3A_142 = arith.constant 32 : i32
      %mul3A_143 = arith.muli %scan3A_141, %mul3A_142 : i32
      %get3A = arith.index_cast %mul3A_143 : i32 to index
      %get3A_144 = tpu.vector_load %arg6[%get3A] {strides = array<i32>} : memref<4224xf32, #tpu.memory_space<vmem>>, vector<16xf32>,
      %add3A_145 = arith.constant 8 : i32
      %add3A_146 = arith.addi %mul3A_143, %add3A_145 : i32
      %get3A_147 = arith.index_cast %add3A_146 : i32 to index
      %get3A_148 = tpu.vector_load %arg6[%get3A_147] {strides = array<i32>} : memref<4224xf32, #tpu.memory_space<vmem>>, vector<16xf32>,
      %max3A = arith.maximumf %get3A_144, %get3A_148 : vector<16xf32>
      %swap3A_149 = arith.index_cast %mul3A_143 : i32 to index
      %swap3A_150 = tpu.vector_load %arg7[%swap3A_149] {strides = array<i32>} : memref<4224xf32, #tpu.memory_space<vmem>>, vector<16xf32>,
      tpu.vector_store %arg7[%swap3A_149], %max3A {strides = array<i32>} : memref<4224xf32, #tpu.memory_space<vmem>>, vector<16xf32>,
      %add3A_151 = arith.constant 16 : i32
      %add3A_152 = arith.addi %mul3A_143, %add3A_151 : i32
      %get3A_153 = arith.index_cast %add3A_152 : i32 to index
      %get3A_154 = tpu.vector_load %arg6[%get3A_153] {strides = array<i32>} : memref<4224xf32, #tpu.memory_space<vmem>>, vector<16xf32>,
      %add3A_155 = arith.constant 16 : i32
      %add3A_156 = arith.addi %mul3A_143, %add3A_155 : i32
      %add3A_157 = arith.constant 8 : i32
      %add3A_158 = arith.addi %add3A_156, %add3A_157 : i32
      %get3A_159 = arith.index_cast %add3A_158 : i32 to index
      %get3A_160 = tpu.vector_load %arg6[%get3A_159] {strides = array<i32>} : memref<4224xf32, #tpu.memory_space<vmem>>, vector<16xf32>,
      %max3A_161 = arith.maximumf %get3A_154, %get3A_160 : vector<16xf32>
      %add3A_162 = arith.constant 16 : i32
      %add3A_163 = arith.addi %mul3A_143, %add3A_162 : i32
      %swap3A_164 = arith.index_cast %add3A_163 : i32 to index
      %swap3A_165 = tpu.vector_load %arg7[%swap3A_164] {strides = array<i32>} : memref<4224xf32, #tpu.memory_space<vmem>>, vector<16xf32>,
      tpu.vector_store %arg7[%swap3A_164], %max3A_161 {strides = array<i32>} : memref<4224xf32, #tpu.memory_space<vmem>>, vector<16xf32>,
    }
    %scan3A_132 = arith.constant 130 : i32
    %scan3A_133 = arith.constant 0 : i32
    %scan3A_134 = arith.constant 0 : i32
    %scan3A_135 = arith.constant 128 : i32
    %scan3A_136 = arith.addi %scan3A_134, %scan3A_135 : i32
    %scan3A_137 = arith.constant 1 : i32
    scf.for %scan3A_141 = %scan3A_134 to %scan3A_136 step %scan3A_137  : i32 {
      %mul3A_142 = arith.constant 32 : i32
      %mul3A_143 = arith.muli %scan3A_141, %mul3A_142 : i32
      %add3A_144 = arith.constant 0 : i32
      %add3A_145 = arith.addi %mul3A_143, %add3A_144 : i32
      %get3A = arith.index_cast %add3A_145 : i32 to index
      %get3A_146 = tpu.vector_load %arg7[%get3A] {strides = array<i32>} : memref<4224xf32, #tpu.memory_space<vmem>>, vector<16xf32>,
      %add3A_147 = arith.constant 16 : i32
      %add3A_148 = arith.addi %add3A_145, %add3A_147 : i32
      %get3A_149 = arith.index_cast %add3A_148 : i32 to index
      %get3A_150 = tpu.vector_load %arg6[%get3A_149] {strides = array<i32>} : memref<4224xf32, #tpu.memory_space<vmem>>, vector<16xf32>,
      %max3A = arith.maximumf %get3A_146, %get3A_150 : vector<16xf32>
      %add3A_151 = arith.constant 2.000000e+00 : f32
      %add3A_152 = vector.broadcast %add3A_151 : f32 to vector<16xf32>
      %add3A_153 = arith.addf %max3A, %add3A_152 : vector<16xf32>
      %mul3A_154 = arith.constant 1.600000e+01 : f32
      %mul3A_155 = vector.broadcast %mul3A_154 : f32 to vector<16xf32>
      %mul3A_156 = arith.mulf %add3A_153, %mul3A_155 : vector<16xf32>
      %jit3A_157 = arith.constant -1.000000e+00 : f32
      %jit3A_158 = arith.constant 6.400000e+01 : f32
      %max3A_159 = vector.broadcast %jit3A_157 : f32 to vector<16xf32>
      %max3A_160 = arith.maximumf %max3A_159, %mul3A_156 : vector<16xf32>
      %min3A = vector.broadcast %jit3A_158 : f32 to vector<16xf32>
      %min3A_161 = arith.minimumf %min3A, %max3A_160 : vector<16xf32>
      %add3A_162 = arith.constant 1.000000e+00 : f32
      %add3A_163 = vector.broadcast %add3A_162 : f32 to vector<16xf32>
      %add3A_164 = arith.addf %min3A_161, %add3A_163 : vector<16xf32>
      %convert_element_type3A_165 = arith.fptosi %add3A_164 : vector<16xf32> to vector<16xi32>
      %sub3A_166 = arith.constant 1 : i32
      %sub3A_167 = vector.broadcast %sub3A_166 : i32 to vector<16xi32>
      %sub3A_168 = arith.subi %convert_element_type3A_165, %sub3A_167 : vector<16xi32>
      %convert_element_type3A_169 = arith.sitofp %sub3A_168 : vector<16xi32> to vector<16xf32>
      %mul3A_170 = arith.constant 6.250000e-02 : f32
      %mul3A_171 = vector.broadcast %mul3A_170 : f32 to vector<16xf32>
      %mul3A_172 = arith.mulf %convert_element_type3A_169, %mul3A_171 : vector<16xf32>
      %sub3A_173 = arith.constant 2.000000e+00 : f32
      %sub3A_174 = vector.broadcast %sub3A_173 : f32 to vector<16xf32>
      %sub3A_175 = arith.subf %mul3A_172, %sub3A_174 : vector<16xf32>
      %add3A_176 = arith.constant 1 : i32
      %add3A_177 = vector.broadcast %add3A_176 : i32 to vector<16xi32>
      %add3A_178 = arith.addi %sub3A_168, %add3A_177 : vector<16xi32>
      %convert_element_type3A_179 = arith.sitofp %add3A_178 : vector<16xi32> to vector<16xf32>
      %mul3A_180 = arith.constant 6.250000e-02 : f32
      %mul3A_181 = vector.broadcast %mul3A_180 : f32 to vector<16xf32>
      %mul3A_182 = arith.mulf %convert_element_type3A_179, %mul3A_181 : vector<16xf32>
      %sub3A_183 = arith.constant 2.000000e+00 : f32
      %sub3A_184 = vector.broadcast %sub3A_183 : f32 to vector<16xf32>
      %sub3A_185 = arith.subf %mul3A_182, %sub3A_184 : vector<16xf32>
      %lt3A_186 = arith.cmpf olt, %max3A, %sub3A_175 : vector<16xf32>
      %convert_element_type3A_187 = arith.extui %lt3A_186 : vector<16xi1> to vector<16xi32>
      %sub3A_188 = arith.subi %sub3A_168, %convert_element_type3A_187 : vector<16xi32>
      %ge3A = arith.cmpf oge, %max3A, %sub3A_185 : vector<16xf32>
      %convert_element_type3A_189 = arith.extui %ge3A : vector<16xi1> to vector<16xi32>
      %add3A_190 = arith.addi %sub3A_188, %convert_element_type3A_189 : vector<16xi32>
      %jit3A_191 = arith.constant -1 : i32
      %jit3A_192 = arith.constant 63 : i32
      %max3A_193 = vector.broadcast %jit3A_191 : i32 to vector<16xi32>
      %max3A_194 = arith.maxsi %max3A_193, %add3A_190 : vector<16xi32>
      %min3A_195 = vector.broadcast %jit3A_192 : i32 to vector<16xi32>
      %min3A_196 = arith.minsi %min3A_195, %max3A_194 : vector<16xi32>
      %swap3A_197 = arith.index_cast %add3A_145 : i32 to index
      %swap3A_198 = tpu.vector_load %arg8[%swap3A_197] {strides = array<i32>} : memref<4096xi32, #tpu.memory_space<vmem>>, vector<16xi32>,
      tpu.vector_store %arg8[%swap3A_197], %min3A_196 {strides = array<i32>} : memref<4096xi32, #tpu.memory_space<vmem>>, vector<16xi32>,
      %mul3A_199 = arith.constant 32 : i32
      %mul3A_200 = arith.muli %scan3A_141, %mul3A_199 : i32
      %add3A_201 = arith.constant 16 : i32
      %add3A_202 = arith.addi %mul3A_200, %add3A_201 : i32
      %get3A_203 = arith.index_cast %add3A_202 : i32 to index
      %get3A_204 = tpu.vector_load %arg7[%get3A_203] {strides = array<i32>} : memref<4224xf32, #tpu.memory_space<vmem>>, vector<16xf32>,
      %add3A_205 = arith.constant 16 : i32
      %add3A_206 = arith.addi %add3A_202, %add3A_205 : i32
      %get3A_207 = arith.index_cast %add3A_206 : i32 to index
      %get3A_208 = tpu.vector_load %arg6[%get3A_207] {strides = array<i32>} : memref<4224xf32, #tpu.memory_space<vmem>>, vector<16xf32>,
      %max3A_209 = arith.maximumf %get3A_204, %get3A_208 : vector<16xf32>
      %add3A_210 = arith.constant 2.000000e+00 : f32
      %add3A_211 = vector.broadcast %add3A_210 : f32 to vector<16xf32>
      %add3A_212 = arith.addf %max3A_209, %add3A_211 : vector<16xf32>
      %mul3A_213 = arith.constant 1.600000e+01 : f32
      %mul3A_214 = vector.broadcast %mul3A_213 : f32 to vector<16xf32>
      %mul3A_215 = arith.mulf %add3A_212, %mul3A_214 : vector<16xf32>
      %jit3A_216 = arith.constant -1.000000e+00 : f32
      %jit3A_217 = arith.constant 6.400000e+01 : f32
      %max3A_218 = vector.broadcast %jit3A_216 : f32 to vector<16xf32>
      %max3A_219 = arith.maximumf %max3A_218, %mul3A_215 : vector<16xf32>
      %min3A_220 = vector.broadcast %jit3A_217 : f32 to vector<16xf32>
      %min3A_221 = arith.minimumf %min3A_220, %max3A_219 : vector<16xf32>
      %add3A_222 = arith.constant 1.000000e+00 : f32
      %add3A_223 = vector.broadcast %add3A_222 : f32 to vector<16xf32>
      %add3A_224 = arith.addf %min3A_221, %add3A_223 : vector<16xf32>
      %convert_element_type3A_225 = arith.fptosi %add3A_224 : vector<16xf32> to vector<16xi32>
      %sub3A_226 = arith.constant 1 : i32
      %sub3A_227 = vector.broadcast %sub3A_226 : i32 to vector<16xi32>
      %sub3A_228 = arith.subi %convert_element_type3A_225, %sub3A_227 : vector<16xi32>
      %convert_element_type3A_229 = arith.sitofp %sub3A_228 : vector<16xi32> to vector<16xf32>
      %mul3A_230 = arith.constant 6.250000e-02 : f32
      %mul3A_231 = vector.broadcast %mul3A_230 : f32 to vector<16xf32>
      %mul3A_232 = arith.mulf %convert_element_type3A_229, %mul3A_231 : vector<16xf32>
      %sub3A_233 = arith.constant 2.000000e+00 : f32
      %sub3A_234 = vector.broadcast %sub3A_233 : f32 to vector<16xf32>
      %sub3A_235 = arith.subf %mul3A_232, %sub3A_234 : vector<16xf32>
      %add3A_236 = arith.constant 1 : i32
      %add3A_237 = vector.broadcast %add3A_236 : i32 to vector<16xi32>
      %add3A_238 = arith.addi %sub3A_228, %add3A_237 : vector<16xi32>
      %convert_element_type3A_239 = arith.sitofp %add3A_238 : vector<16xi32> to vector<16xf32>
      %mul3A_240 = arith.constant 6.250000e-02 : f32
      %mul3A_241 = vector.broadcast %mul3A_240 : f32 to vector<16xf32>
      %mul3A_242 = arith.mulf %convert_element_type3A_239, %mul3A_241 : vector<16xf32>
      %sub3A_243 = arith.constant 2.000000e+00 : f32
      %sub3A_244 = vector.broadcast %sub3A_243 : f32 to vector<16xf32>
      %sub3A_245 = arith.subf %mul3A_242, %sub3A_244 : vector<16xf32>
      %lt3A_246 = arith.cmpf olt, %max3A_209, %sub3A_235 : vector<16xf32>
      %convert_element_type3A_247 = arith.extui %lt3A_246 : vector<16xi1> to vector<16xi32>
      %sub3A_248 = arith.subi %sub3A_228, %convert_element_type3A_247 : vector<16xi32>
      %ge3A_249 = arith.cmpf oge, %max3A_209, %sub3A_245 : vector<16xf32>
      %convert_element_type3A_250 = arith.extui %ge3A_249 : vector<16xi1> to vector<16xi32>
      %add3A_251 = arith.addi %sub3A_248, %convert_element_type3A_250 : vector<16xi32>
      %jit3A_252 = arith.constant -1 : i32
      %jit3A_253 = arith.constant 63 : i32
      %max3A_254 = vector.broadcast %jit3A_252 : i32 to vector<16xi32>
      %max3A_255 = arith.maxsi %max3A_254, %add3A_251 : vector<16xi32>
      %min3A_256 = vector.broadcast %jit3A_253 : i32 to vector<16xi32>
      %min3A_257 = arith.minsi %min3A_256, %max3A_255 : vector<16xi32>
      %swap3A_258 = arith.index_cast %add3A_202 : i32 to index
      %swap3A_259 = tpu.vector_load %arg8[%swap3A_258] {strides = array<i32>} : memref<4096xi32, #tpu.memory_space<vmem>>, vector<16xi32>,
      tpu.vector_store %arg8[%swap3A_258], %min3A_257 {strides = array<i32>} : memref<4096xi32, #tpu.memory_space<vmem>>, vector<16xi32>,
    }
    %scan3A_138 = arith.constant 128 : i32
    %mul3A_139 = arith.constant 4096 : i32
    %mul3A_140 = arith.muli %select_n3A_30, %mul3A_139 : i32
    %run_scoped3A = arith.constant 0 : i32
    "tpu.region"() ({
      %run_scoped3A_141 = tpu.sem_alloc : memref<!tpu.dma_semaphore, #tpu.memory_space<semaphore_mem>>
      %dma_start3A = tpu.memref_slice %arg3[%select_n3A_9, %run_scoped3A, %mul3A_140] : memref<16x1x8192xi32, #tpu.memory_space<hbm>> -> memref<1x1x4096xi32, #tpu.memory_space<hbm>>
      %dma_start3A_142 = tpu.memref_squeeze %dma_start3A : memref<1x1x4096xi32, #tpu.memory_space<hbm>> -> memref<4096xi32, #tpu.memory_space<hbm>>
      %dma_start3A_143 = tpu.memref_slice %arg3[%select_n3A_9, %run_scoped3A, %mul3A_140] : memref<16x1x8192xi32, #tpu.memory_space<hbm>> -> memref<1x1x4096xi32, #tpu.memory_space<hbm>>
      %dma_start3A_144 = tpu.memref_squeeze %dma_start3A_143 : memref<1x1x4096xi32, #tpu.memory_space<hbm>> -> memref<4096xi32, #tpu.memory_space<hbm>>
      tpu.enqueue_dma source(%arg8 : memref<4096xi32, #tpu.memory_space<vmem>>) target(%dma_start3A_144 : memref<4096xi32, #tpu.memory_space<hbm>>) target_semaphore(%run_scoped3A_141 : memref<!tpu.dma_semaphore, #tpu.memory_space<semaphore_mem>>)
      %dma_wait3A = tpu.memref_slice %arg3[%select_n3A_9, %run_scoped3A, %mul3A_140] : memref<16x1x8192xi32, #tpu.memory_space<hbm>> -> memref<1x1x4096xi32, #tpu.memory_space<hbm>>
      %dma_wait3A_145 = tpu.memref_squeeze %dma_wait3A : memref<1x1x4096xi32, #tpu.memory_space<hbm>> -> memref<4096xi32, #tpu.memory_space<hbm>>
      %dma_wait3A_146 = tpu.memref_slice %arg3[%select_n3A_9, %run_scoped3A, %mul3A_140] : memref<16x1x8192xi32, #tpu.memory_space<hbm>> -> memref<1x1x4096xi32, #tpu.memory_space<hbm>>
      %dma_wait3A_147 = tpu.memref_squeeze %dma_wait3A_146 : memref<1x1x4096xi32, #tpu.memory_space<hbm>> -> memref<4096xi32, #tpu.memory_space<hbm>>
      tpu.wait_dma2 semaphore(%run_scoped3A_141 : memref<!tpu.dma_semaphore, #tpu.memory_space<semaphore_mem>>) src(%arg8 : memref<4096xi32, #tpu.memory_space<vmem>>) dst(%dma_wait3A_147 : memref<4096xi32, #tpu.memory_space<hbm>>)
      tpu.yield
    }) : () -> ()
    return
  }
}

module attributes {stable_mosaic.version = 14 : i64} {
  func.func @_tc_expand_body_aliased(%arg0: i32, %arg1: memref<1x1x8192xi32, #tpu.memory_space<vmem>>, %arg2: memref<32x8169x64xf32, #tpu.memory_space<hbm>>, %arg3: memref<1x8176x64xf32, #tpu.memory_space<vmem>>) attributes {dimension_semantics = [#tpu.dimension_semantics<arbitrary>], iteration_bounds = array<i64: 16>, scalar_prefetch = 0 : i64, scratch_operands = 0 : i64, tpu.core_type = #tpu.core_type<tc>, window_params = [{transform_indices = @transform_0, window_bounds = array<i64: 1, 1, 8192>}, {}, {transform_indices = @transform_2, window_bounds = array<i64: 1, 8176, 64>}]} {
    %get3A = arith.constant 0 : index
    %get3A_0 = arith.constant 0 : index
    %get3A_1 = arith.constant 0 : index
    %get3A_2 = vector.load %arg1[%get3A, %get3A_0, %get3A_1] : memref<1x1x8192xi32, #tpu.memory_space<vmem>>, vector<1x1x8192xi32>
    %get3A_3 = vector.shape_cast %get3A_2 : vector<1x1x8192xi32> to vector<8192xi32>
    %slice3A = vector.extract_strided_slice %get3A_3 {offsets = [0], sizes = [8176], strides = [1]} : vector<8192xi32> to vector<8176xi32>
    %reshape3A = vector.shape_cast %slice3A : vector<8176xi32> to vector<8176x1xi32>
    %iota3A = tpu.iota {dimensions = array<i32: 1>} : vector<1x64xi32>
    %eq3A = vector.broadcast %reshape3A : vector<8176x1xi32> to vector<8176x64xi32>
    %eq3A_4 = vector.broadcast %iota3A : vector<1x64xi32> to vector<8176x64xi32>
    %eq3A_5 = arith.cmpi eq, %eq3A, %eq3A_4 : vector<8176x64xi32>
    %convert_element_type3A = arith.extui %eq3A_5 : vector<8176x64xi1> to vector<8176x64xi32>
    %convert_element_type3A_6 = arith.sitofp %convert_element_type3A : vector<8176x64xi32> to vector<8176x64xf32>
    %swap3A = arith.constant 0 : index
    %swap3A_7 = arith.constant 0 : index
    %swap3A_8 = arith.constant 0 : index
    %swap3A_9 = vector.load %arg3[%swap3A, %swap3A_7, %swap3A_8] : memref<1x8176x64xf32, #tpu.memory_space<vmem>>, vector<1x8176x64xf32>
    %swap3A_10 = vector.shape_cast %swap3A_9 : vector<1x8176x64xf32> to vector<8176x64xf32>
    %swap3A_11 = vector.shape_cast %convert_element_type3A_6 : vector<8176x64xf32> to vector<1x8176x64xf32>
    tpu.vector_store %arg3[%swap3A, %swap3A_7, %swap3A_8], %swap3A_11 {strides = array<i32>} : memref<1x8176x64xf32, #tpu.memory_space<vmem>>, vector<1x8176x64xf32>,
    return
  }
  func.func @transform_0(%arg0: i32) -> (i32, i32, i32) {
    %c0_i32 = arith.constant 0 : i32
    %c0_i32_0 = arith.constant 0 : i32
    %c0_i32_1 = arith.constant 0 : i32
    return %arg0, %c0_i32, %c0_i32_0 : i32, i32, i32
  }
  func.func @transform_2(%arg0: i32) -> (i32, i32, i32) {
    %add3A = arith.constant 16 : i32
    %add3A_0 = arith.addi %add3A, %arg0 : i32
    %c0_i32 = arith.constant 0 : i32
    %c0_i32_1 = arith.constant 0 : i32
    %c0_i32_2 = arith.constant 0 : i32
    return %add3A_0, %c0_i32, %c0_i32_1 : i32, i32, i32
  }
}

module attributes {stable_mosaic.version = 14 : i64} {
  func.func @_tc_expand_body(%arg0: i32, %arg1: memref<1x1x8192xi32, #tpu.memory_space<vmem>>, %arg2: memref<1x8176x64xf32, #tpu.memory_space<vmem>>) attributes {dimension_semantics = [#tpu.dimension_semantics<arbitrary>], iteration_bounds = array<i64: 16>, scalar_prefetch = 0 : i64, scratch_operands = 0 : i64, tpu.core_type = #tpu.core_type<tc>, window_params = [{transform_indices = @transform_0, window_bounds = array<i64: 1, 1, 8192>}, {transform_indices = @transform_1, window_bounds = array<i64: 1, 8176, 64>}]} {
    %get3A = arith.constant 0 : index
    %get3A_0 = arith.constant 0 : index
    %get3A_1 = arith.constant 0 : index
    %get3A_2 = vector.load %arg1[%get3A, %get3A_0, %get3A_1] : memref<1x1x8192xi32, #tpu.memory_space<vmem>>, vector<1x1x8192xi32>
    %get3A_3 = vector.shape_cast %get3A_2 : vector<1x1x8192xi32> to vector<8192xi32>
    %slice3A = vector.extract_strided_slice %get3A_3 {offsets = [0], sizes = [8176], strides = [1]} : vector<8192xi32> to vector<8176xi32>
    %reshape3A = vector.shape_cast %slice3A : vector<8176xi32> to vector<8176x1xi32>
    %iota3A = tpu.iota {dimensions = array<i32: 1>} : vector<1x64xi32>
    %eq3A = vector.broadcast %reshape3A : vector<8176x1xi32> to vector<8176x64xi32>
    %eq3A_4 = vector.broadcast %iota3A : vector<1x64xi32> to vector<8176x64xi32>
    %eq3A_5 = arith.cmpi eq, %eq3A, %eq3A_4 : vector<8176x64xi32>
    %convert_element_type3A = arith.extui %eq3A_5 : vector<8176x64xi1> to vector<8176x64xi32>
    %convert_element_type3A_6 = arith.sitofp %convert_element_type3A : vector<8176x64xi32> to vector<8176x64xf32>
    %swap3A = arith.constant 0 : index
    %swap3A_7 = arith.constant 0 : index
    %swap3A_8 = arith.constant 0 : index
    %swap3A_9 = vector.load %arg2[%swap3A, %swap3A_7, %swap3A_8] : memref<1x8176x64xf32, #tpu.memory_space<vmem>>, vector<1x8176x64xf32>
    %swap3A_10 = vector.shape_cast %swap3A_9 : vector<1x8176x64xf32> to vector<8176x64xf32>
    %swap3A_11 = vector.shape_cast %convert_element_type3A_6 : vector<8176x64xf32> to vector<1x8176x64xf32>
    tpu.vector_store %arg2[%swap3A, %swap3A_7, %swap3A_8], %swap3A_11 {strides = array<i32>} : memref<1x8176x64xf32, #tpu.memory_space<vmem>>, vector<1x8176x64xf32>,
    return
  }
  func.func @transform_0(%arg0: i32) -> (i32, i32, i32) {
    %c0_i32 = arith.constant 0 : i32
    %c0_i32_0 = arith.constant 0 : i32
    %c0_i32_1 = arith.constant 0 : i32
    return %arg0, %c0_i32, %c0_i32_0 : i32, i32, i32
  }
  func.func @transform_1(%arg0: i32) -> (i32, i32, i32) {
    %add3A = arith.constant 0 : i32
    %add3A_0 = arith.addi %add3A, %arg0 : i32
    %c0_i32 = arith.constant 0 : i32
    %c0_i32_1 = arith.constant 0 : i32
    %c0_i32_2 = arith.constant 0 : i32
    return %add3A_0, %c0_i32, %c0_i32_1 : i32, i32, i32
  }
}

</mosaic_0001>

<sc_bundles>
// kernel: kernel.6.cloned.1.call-start
scs
__scs_entry_jumppad:
0x0: {  	(pc) =	sbr.rel $0x88, $3  }
0x1: {  	(tag) =	ssettag $0x0;
	lr =	simm.s32 $0x1  }
0x2: {  	[smem:$0x3FA0] =	sst lr;
	_ =	strace $0xD0000000  }
0x3: {  	_ = 	snop  }
0x4: {  	_ = 	snop  }
0x5: {  	_ = 	snop  }
0x6: {  	_ = 	snop  }
0x7: {  	_ = 	snop  }
__scs_overlays_trampoline_lowered:
0x8: {  	[smem:$0x3FAF] =	sst s0  }
0x9: {  	[smem:$0x3FB0] =	sst s1  }
0xa: {  	[smem:$0x3FB1] =	sst s2  }
0xb: {  	[smem:$0x3FB2] =	sst s3  }
0xc: {  	[smem:$0x3FB3] =	sst s4  }
0xd: {  	[smem:$0x3FB4] =	sst s5  }
0xe: {  	[smem:$0x3FB5] =	sst s6  }
0xf: {  	[smem:$0x3FB6] =	sst s7  }
0x10: {  	[smem:$0x3FB7] =	sst s8  }
0x11: {  	[smem:$0x3FB8] =	sst s9;
	s0 =	simm.s32 @!p0 $0x0  }
0x12: {  	s1 =	sld [smem:$0x3F9E];
	s0 =	simm.s32 @p0 $0x1  }
0x13: {  	[smem:$0x3FB9] =	sst s0;
	s0 =	simm.s32 @!p1 $0x0  }
0x14: {  	s2 =	sld [smem:$0x3F9D];
	s0 =	simm.s32 @p1 $0x1  }
0x15: {  	[smem:$0x3FBA] =	sst s0;
	s0 =	simm.s32 @!p2 $0x0  }
0x16: {  	s3 =	sld [smem:$0x3FDB];
	s0 =	simm.s32 @p2 $0x1  }
0x17: {  	s4 =	simm.s32 $0x1BF5;
	[smem:$0x3FBC] =	sst s0  }
0x18: {  	s0 =	sld [smem:$0x3F9F];
	_ =	swait.ge [sflag:s4], $0x0  }
0x19: {  	s7 =	sld [smem:$0x3FA0]  }
0x1a: {  	s8 =	sadd.s32 $0xFFFFE003, lr  }
0x1b: {  	s9 =	sadd.s32 $0xFFFFFEF7, lr;
	s5 =	simm.s32 $0xFFFFFFFF;
	p2 =	slt.u32 s8, $0xFFFFF086  }
0x1c: {  	p1 =	slt.u32 s9, $0xF7A;
	s5 =	simm.s32 @!p2 $0x0  }
0x1d: {  	s5 =	simm.s32 @p1 $0x1;
	p0 =	seq.s32 s7, s2  }
0x1e: {  	s7 =	smul.u32 @!p0 $0xF7A, s2;
	p2 =	seq.s32 @!p0 s5, $0x0  }
0x1f: {  	s9 =	smul.u32 $0xF7A, s1;
	s8 =	simm.s32 @!p0 $0x1BF5;
	p2 =	por !p2, p0  }
0x20: {  	[sflag:s8] =	ssyncset.s32 @!p0 $0xFFFFF086;
	s6 =	sadd.s32 @!p0 s3, s7;
	s7 =	simm.s32 @!p0 $0x108  }
0x21: {  	s3 =	sadd.s32 s3, s9;
	s6 =	sadd.s32 @!p0 $0x88, s6;
	s7 =	simm.s32 @p2 $0x1082  }
0x22: {  	[simem:s7], [sflag:s8] =	dma.local @!p0 [hbm:s6], $0xF7A  }
0x23: {  	s9 =	sor.u32 $0xD0000000, s2;
	s6 =	simm.s32 $0x108;
	_ =	swait.ge @!p0 [sflag:s8], $0x0  }
0x24: {  	s3 =	sadd.s32 $0x88, s3;
	s6 =	simm.s32 @!p1 $0x1082;
	[sflag:s4] =	ssyncset.s32 $0xFFFFF086  }
0x25: {  	[simem:s6], [sflag:s4] =	dma.local [hbm:s3], $0xF7A  }
0x26: {  	[smem:$0x3FA0] =	sst s1;
	(tag) =	ssettag s2;
	_ =	strace s9  }
0x27: {  	s1 =	sld [smem:$0x3FB0]  }
0x28: {  	s2 =	sld [smem:$0x3FB1]  }
0x29: {  	s4 =	sld [smem:$0x3FB3]  }
0x2a: {  	p0 =	seq.s32 s5, $0x0;
	s5 =	sld [smem:$0x3FB4]  }
0x2b: {  	s6 =	sld [smem:$0x3FB5]  }
0x2c: {  	s7 =	sld [smem:$0x3FB6]  }
0x2d: {  	s3 =	simm.s32 $0x108;
	s8 =	sld [smem:$0x3FB7]  }
0x2e: {  	s3 =	simm.s32 @!p0 $0x1082;
	s9 =	sld [smem:$0x3FB8]  }
0x2f: {  	lr =	sadd.s32 s0, s3;
	s0 =	sld [smem:$0x3FAF]  }
0x30: {  	s3 =	sld [smem:$0x3FB2]  }
0x31: {  	[smem:$0x3FBB] =	sst s10  }
0x32: {  	s10 =	sld [smem:$0x3FB9];
	_ =	sdelay $0x3  }
0x33: {  	p0 =	seq.s32 s10, $0x1;
	s10 =	sld [smem:$0x3FBB];
	_ =	sdelay $0x3  }
0x34: {  	[smem:$0x3FBB] =	sst s10  }
0x35: {  	s10 =	sld [smem:$0x3FBA];
	_ =	sdelay $0x3  }
0x36: {  	p1 =	seq.s32 s10, $0x1;
	s10 =	sld [smem:$0x3FBB];
	_ =	sdelay $0x3  }
0x37: {  	[smem:$0x3FBB] =	sst s10  }
0x38: {  	s10 =	sld [smem:$0x3FBC]  }
0x39: {  	_ = 	snop;
	(pc) =	sbr.ind lr, $3  }
0x3a: {  	_ = 	snop  }
0x3b: {  	_ = 	snop  }
0x3c: {  	p2 =	seq.s32 s10, $0x1;
	s10 =	sld [smem:$0x3FBB]  }
0x3d: {  	_ =	shalt  }
0x3e: {  	_ =	shalt  }
0x3f: {  	_ =	shalt  }
0x40: {  	_ =	shalt  }
0x41: {  	_ =	shalt  }
0x42: {  	_ =	shalt  }
0x43: {  	_ =	shalt  }
0x44: {  	_ =	shalt  }
0x45: {  	_ =	shalt  }
0x46: {  	_ =	shalt  }
0x47: {  	_ =	shalt  }
0x48: {  	_ =	shalt  }
0x49: {  	_ =	shalt  }
0x4a: {  	_ =	shalt  }
0x4b: {  	_ =	shalt  }
0x4c: {  	_ =	shalt  }
0x4d: {  	_ =	shalt  }
0x4e: {  	_ =	shalt  }
0x4f: {  	_ =	shalt  }
0x50: {  	_ =	shalt  }
0x51: {  	_ =	shalt  }
0x52: {  	_ =	shalt  }
0x53: {  	_ =	shalt  }
0x54: {  	_ =	shalt  }
0x55: {  	_ =	shalt  }
0x56: {  	_ =	shalt  }
0x57: {  	_ =	shalt  }
0x58: {  	_ =	shalt  }
0x59: {  	_ =	shalt  }
0x5a: {  	_ =	shalt  }
0x5b: {  	_ =	shalt  }
0x5c: {  	_ =	shalt  }
0x5d: {  	_ =	shalt  }
0x5e: {  	_ =	shalt  }
0x5f: {  	_ =	shalt  }
0x60: {  	_ =	shalt  }
0x61: {  	_ =	shalt  }
0x62: {  	_ =	shalt  }
0x63: {  	_ =	shalt  }
0x64: {  	_ =	shalt  }
0x65: {  	_ =	shalt  }
0x66: {  	_ =	shalt  }
0x67: {  	_ =	shalt  }
0x68: {  	_ =	shalt  }
0x69: {  	_ =	shalt  }
0x6a: {  	_ =	shalt  }
0x6b: {  	_ =	shalt  }
0x6c: {  	_ =	shalt  }
0x6d: {  	_ =	shalt  }
0x6e: {  	_ =	shalt  }
0x6f: {  	_ =	shalt  }
0x70: {  	_ =	shalt  }
0x71: {  	_ =	shalt  }
0x72: {  	_ =	shalt  }
0x73: {  	_ =	shalt  }
0x74: {  	_ =	shalt  }
0x75: {  	_ =	shalt  }
0x76: {  	_ =	shalt  }
0x77: {  	_ =	shalt  }
0x78: {  	_ =	shalt  }
0x79: {  	_ =	shalt  }
0x7a: {  	_ =	shalt  }
0x7b: {  	_ =	shalt  }
0x7c: {  	_ =	shalt  }
0x7d: {  	_ =	shalt  }
0x7e: {  	_ =	shalt  }
0x7f: {  	_ =	shalt  }
0x80: {  	_ =	shalt  }
0x81: {  	_ =	shalt  }
0x82: {  	_ =	shalt  }
0x83: {  	_ =	shalt  }
0x84: {  	_ =	shalt  }
0x85: {  	_ =	shalt  }
0x86: {  	_ =	shalt  }
0x87: {  	_ =	shalt  }
.Lfunc_end0:
.L_simem_size_0:
called_computation_lowered:
.L_overlay_start_0:
0x88: {  	s2 =	sld [smem:$0x3FD9]  }
0x89: {  	s3 =	sld [smem:$0x3FFE];
	_ =	sdelay $0x1  }
0x8a: {  	s1 =	srdreg.scid  }
0x8b: {  	s0 =	sand.u32 $0x1, s1  }
0x8c: {  	s17 =	sshll.u32 s0, $0xA;
	s2 =	sadd.s32 s3, s2  }
0x8d: {  	s2 =	sadd.s32 s2, s17  }
0x8e: {  	[smem:$0x3FC7] =	sst s2  }
0x8f: {  	_ = 	snop  }
0x90: {  	s2 =	sld [smem:$0x3FD0];
	(tm) =	ssettm $0x1  }
0x91: {  	s18 =	sld [smem:$0x3FFB];
	_ =	sdelay $0x3  }
0x92: {  	_ =	strace s18  }
0x93: {  	s3 =	sld [smem:$0x3FFC];
	_ =	sdelay $0x3  }
0x94: {  	_ =	strace s3  }
0x95: {  	s3 =	sld [smem:$0x3FFD];
	_ =	sdelay $0x3  }
0x96: {  	_ =	strace s3  }
0x97: {  	_ =	strace $0x8FFFFFFF  }
0x98: {  	s19 =	sld [smem:$0x3FDB];
	_ =	sdelay $0x1  }
0x99: {  	s4 =	simm.s32 $_scs_section_size  }
0x9a: {  	s5 =	simm.s32 $_size__tile_overlayer_lowered;
	s6 =	simm.s32 $_tile_overlayer_lowered  }
0x9b: {  	s22 =	simm.s32 $0x1BFF;
	s21 =	sshll.u32 s6, $0x1;
	s3 =	sadd.s32 s4, s19  }
0x9c: {  	s7 =	simm.s32 $0x0;
	s20 =	sshll.u32 s5, $0x1;
	s5 =	sadd.s32 s21, s3  }
0x9d: {  	[timem:s7], [sflag:s22] =	dma.local [hbm:s5], s20  }
0x9e: {  	_ =	swait.ge [sflag:s22], s20  }
0x9f: {  	s4 =	ssub.s32 $0x0, s20;
	[sflag:s22] =	ssyncset.done $0x0  }
0xa0: {  	[sflag:s22] =	ssyncadd.s32 s4;
	_ =	sdelay $0x1  }
0xa1: {  	s23 =	simm.s32 $0x1B8B  }
0xa2: {  	_ =	swait.ge [sflag:s23], $0x1  }
0xa3: {  	[sflag:s23] =	ssyncset.done $0x0  }
0xa4: {  	s25 =	simm.s32 $0x1B8E;
	s24 =	sld [smem:$0x3FFE];
	[sflag:s23] =	ssyncadd.s32 $0xFFFFFFFF  }
0xa5: {  	s26 =	simm.s32 $execute0_lowered;
	[smem:$0x3FD2] =	sst s25  }
0xa6: {  	s5 =	sshll.u32 s26, $0x1;
	_ =	strace $0x80000046;
	[dreg:$0x1] =	wrdreg $0xFFFFFFFF  }
0xa7: {  	s28 =	simm.s32 $_size_execute0_lowered;
	s3 =	sadd.s32 s3, s5;
	[dreg:$0x0] =	wrdreg $0x0  }
0xa8: {  	s5 =	sshll.u32 s28, $0x1;
	[dreg:$0x2] =	wrdreg s3  }
0xa9: {  	[dreg:$0x3] =	wrdreg s5  }
0xaa: {  	[dreg:$0x4] =	wrdreg $0xC0  }
0xab: {  	_ =	task [dreg:s7], $0x5FFFF  }
0xac: {  	[dreg:$0x1] =	wrdreg $0xFFFFFFFF  }
0xad: {  	[dreg:$0x0] =	wrdreg $0x60  }
0xae: {  	[dreg:$0x2] =	wrdreg s2  }
0xaf: {  	[dreg:$0x3] =	wrdreg s24  }
0xb0: {  	[dreg:$0x4] =	wrdreg $0x9  }
0xb1: {  	_ =	task.clear_ibuf [dreg:s7], $0x5FFFF;
	_ =	strace $0x90000046  }
0xb2: {  	s29 =	simm.s32 $0x9;
	_ =	strace $0x80000048  }
0xb3: {  	_ =	swait.ge [sflag:s29], $0x1  }
0xb4: {  	[sflag:s29] =	ssyncadd.s32 $0xFFFFFFFF  }
0xb5: {  	_ =	strace $0x90000048  }
0xb6: {  	_ =	sfence  }
0xb7: {  	s30 =	sld [smem:$0x0];
	_ =	sdelay $0x2  }
0xb8: {  	s31 =	sshll.u32 s1, $0xD;
	s1 =	sshrl.u32 s1, $0x2  }
0xb9: {  	s3 =	sand.u32 $0x4000, s31;
	s1 =	sadd.s32 s1, s30  }
0xba: {  	s0 =	sor.u32 s3, s0;
	s1 =	sshll.u32 s1, $0x11  }
0xbb: {  	s0 =	sor.u32 s1, s0  }
0xbc: {  	s0 =	sadd.s32 $0x8F2B, s0  }
0xbd: {  	[sflag:s0] =	ssyncadd.remote.s32 $0x1  }
0xbe: {  	_ =	sfence.sel $0xFFFF  }
0xbf: {  	[dreg:$0x0] =	wrdreg $0xFFFFFFFF;
	(pc) =	sbr.abs _section_cstart, $3  }
0xc0: {  	[dreg:$0x1] =	wrdreg $0xFFFFFFFF  }
0xc1: {  	_ =	task.clear_ibuf [dreg:s7], $0x2FFFF;
	_ =	strace $0x9FFFFFFF  }
0xc2: {  	(tm) =	ssettm $0x7FFFFFFF  }
0xc3: {  	_ =	shalt  }
tec
execute0_lowered:
.L_overlay_start_1:
0x0: {  	(tag) =	ssettag $0x1  }
0x1: {  	s4 =	rddreg [dreg:$0x0]  }
0x2: {  	s3 =	rddreg [dreg:$0x1]  }
0x3: {  	s0 =	rddreg [dreg:$0x2]  }
0x4: {  	s2 =	simm.s32 $0x0;
	s1 =	stileid.u32;
	s5 =	srdreg.scid  }
0x5: {  	[smem:$0x7FF] =	sst s2;
	s6 =	sshrl.u32 s1, $0x3;
	s5 =	sand.u32 $0x1, s5  }
0x6: {  	s9 =	sshll.u32 s1, $0x1;
	s26 =	sshll.u32 s1, $0xD;
	s7 =	sshll.u32 s6, $0x9  }
0x7: {  	s8 =	ssub.s32 $0x2, s5;
	s9 =	sand.u32 $0xE, s9;
	_ =	strace $0x80000047  }
0x8: {  	s25 =	sand.u32 $0x1, s6;
	s28 =	sand.u32 $0x8000, s26;
	s7 =	sadd.s32 s7, s3  }
0x9: {  	s23 =	sshrl.u32 s8, $0x1;
	s24 =	sor.u32 s5, s9;
	p0 =	seq.s32 s25, $0x1  }
0xa: {  	s30 =	sadd.s32 s4, s28;
	s9 =	sshll.u32 s24, $0x4;
	s10 =	sshll.u32 s24, $0xA  }
0xb: {  	v0 =	vlaneseq.u32;
	s8 =	ssub.s32 s8, s23;
	s29 =	sand.u32 $0x70, s9;
	s31 =	sadd.s32 s10, s7  }
0xc: {  	v0 =	vmul.u32 $0x4, v0;
	s6 =	smax.u32 s8, $0x1;
	s7 =	simm.s32 $0x7200;
	s5 =	sor.u32 s29, s28  }
0xd: {  	v3 =	vimm.f32 $-Inf;
	s8 =	simm.s32 $0x1;
	s9 =	simm.s32 $0x0;
	s4 =	sadd.s32 s5, s4  }
0xe: {  	v4 =	vimm.s32 $0x0;
	v1 =	vor.u32 $0x4001, v0;
	v2 =	vor.u32 $0x4041, v0;
	s3 =	sadd.s32 s29, s30;
	s5 =	sadd.s32 $0xC00, s31;
	s4 =	sadd.s32 $0x4000, s4  }
.LBB2_1:
0xf: {  	s10 =	simm.s32 @p0 $0x80;
	s11 =	simm.s32 @p0 $0x400;
	s12 =	simm.s32 @p0 $0x0  }
0x10: {  	[tilespmem:s12], [sflag:$0x1] =	stream.strided.gather @p0 [hbm4b:s4+s10], $0x4000, s11, s10, $0x38;
	[tilespmem:$0x8200] =	vst v63  }
0x11: {  	s10 =	simm.s32 @p0 $0x1  }
0x12: {  	v5 =	vmov s2;
	_ =	swait.ge @p0 [sflag:s10], $0x4000  }
0x13: {  	v5 =	vshll.u32 v5, $0x2;
	s11 =	simm.s32 @!p0 $0x400;
	[sflag:s10] =	ssyncset.done @p0 $0x0  }
0x14: {  	s12 =	simm.s32 @!p0 $0x0;
	v5 =	vor.u32 v0, v5;
	[sflag:s10] =	ssyncadd.s32 @p0 $0xFFFFC000;
	s10 =	simm.s32 @!p0 $0x80  }
0x15: {  	v5 =	vor.u32 $0x1, v5;
	[tilespmem:s12], [sflag:$0x1] =	stream.strided.gather @!p0 [hbm4b:s3+s10], $0x4080, s11, s10, $0x38;
	[tilespmem:$0x8200] =	vst v63  }
0x16: {  	s10 =	simm.s32 @!p0 $0x1  }
0x17: {  	s29 =	simm.s32 $0x10;
	_ =	swait.ge @!p0 [sflag:s10], $0x4080  }
0x18: {  	v6 =	vmov s29;
	[sflag:s10] =	ssyncset.done @!p0 $0x0  }
0x19: {  	v6 =	vshll.u32 v6, $0x2;
	[sflag:s10] =	ssyncadd.s32 @!p0 $0xFFFFBF80  }
0x1a: {  	v6 =	vor.u32 v0, v6;
	v5 =	vld.idx.msk [tilespmem:v5+s2+$0x0], $0xffff  }
0x1b: {  	v6 =	vor.u32 $0x1, v6;
	_ =	sdelay $0x1  }
0x1c: {  	s30 =	simm.s32 $0x20  }
0x1d: {  	v7 =	vmov s30;
	s10 =	simm.s32 $0x40A0  }
0x1e: {  	[tilespmem:s10+$0xFFFFFFE0] =	vst v5;
	v5 =	vshll.u32 v7, $0x2  }
0x1f: {  	v6 =	vld.idx.msk [tilespmem:v6+s2+$0x0], $0xffff;
	v5 =	vor.u32 v0, v5  }
0x20: {  	v5 =	vor.u32 $0x1, v5;
	_ =	sdelay $0x3  }
0x21: {  	s31 =	simm.s32 $0x30;
	[tilespmem:s10+$0xFFFFFFF0] =	vst v6  }
0x22: {  	v7 =	vld.idx.msk [tilespmem:v5+s2+$0x0], $0xffff;
	v5 =	vmov s31  }
0x23: {  	v5 =	vshll.u32 v5, $0x2  }
0x24: {  	v5 =	vor.u32 v0, v5  }
0x25: {  	v5 =	vor.u32 $0x1, v5;
	_ =	sdelay $0x2  }
0x26: {  	s11 =	simm.s32 $0x40  }
0x27: {  	s12 =	simm.s32 $0x80;
	v6 =	vmov s11;
	[tilespmem:s10+$0x0] =	vst v7  }
.LBB2_2:
0x28: {  	p1 =	sne.s32 s12, $0xFC0;
	v6 =	vshll.u32 v6, $0x2;
	v5 =	vld.idx.msk [tilespmem:v5+s2+$0x0], $0xffff  }
0x29: {  	v6 =	vor.u32 v0, v6  }
0x2a: {  	v6 =	vor.u32 $0x1, v6;
	_ =	sdelay $0x2  }
0x2b: {  	s13 =	sadd.s32 $0x10, s11  }
0x2c: {  	v7 =	vmov s13;
	[tilespmem:s10+$0x10] =	vst v5  }
0x2d: {  	v5 =	vld.idx.msk [tilespmem:v6+s2+$0x0], $0xffff;
	v6 =	vshll.u32 v7, $0x2  }
0x2e: {  	v6 =	vor.u32 v0, v6  }
0x2f: {  	v6 =	vor.u32 $0x1, v6;
	_ =	sdelay $0x2  }
0x30: {  	s13 =	sadd.s32 $0x20, s11;
	s10 =	sadd.s32 $0x40, s10  }
0x31: {  	[tilespmem:s10+$0xFFFFFFE0] =	vst v5;
	v5 =	vmov s13  }
0x32: {  	v6 =	vld.idx.msk [tilespmem:v6+s2+$0x0], $0xffff;
	v5 =	vshll.u32 v5, $0x2  }
0x33: {  	v5 =	vor.u32 v0, v5  }
0x34: {  	v5 =	vor.u32 $0x1, v5;
	_ =	sdelay $0x2  }
0x35: {  	s13 =	sadd.s32 $0x30, s11;
	s11 =	smov.u32 s12  }
0x36: {  	[tilespmem:s10+$0xFFFFFFF0] =	vst v6;
	v6 =	vmov s13  }
0x37: {  	v7 =	vld.idx.msk [tilespmem:v5+s2+$0x0], $0xffff;
	v5 =	vshll.u32 v6, $0x2  }
0x38: {  	v5 =	vor.u32 v0, v5  }
.Ltmp0:
0x39: {  	v5 =	vor.u32 $0x1, v5;
	(pc) =	sbr.rel @p1 .LBB2_2-.Ltmp0, $2  }
0x3a: {  	_ =	sdelay $0x2  }
0x3b: {  	s12 =	sadd.s32 $0x40, s12;
	v6 =	vmov s11;
	[tilespmem:s10+$0x0] =	vst v7  }
0x3c: {  	_ =	sdelay $0x2  }
0x3d: {  	v6 =	vshll.u32 v6, $0x2  }
0x3e: {  	v5 =	vld.idx.msk [tilespmem:v5+s2+$0x0], $0xffff;
	v6 =	vor.u32 v0, v6  }
0x3f: {  	v6 =	vor.u32 $0x1, v6;
	_ =	sdelay $0x1  }
0x40: {  	s12 =	sadd.s32 $0x10, s11  }
0x41: {  	v7 =	vmov s12  }
0x42: {  	[tilespmem:s10+$0x10] =	vst v5;
	v5 =	vshll.u32 v7, $0x2  }
0x43: {  	v5 =	vor.u32 v0, v5;
	v6 =	vld.idx.msk [tilespmem:v6+s2+$0x0], $0xffff  }
0x44: {  	v5 =	vor.u32 $0x1, v5;
	_ =	sdelay $0x1  }
0x45: {  	s28 =	sadd.s32 $0x20, s11  }
0x46: {  	s29 =	sadd.s32 $0x40, s10;
	v7 =	vmov s28  }
0x47: {  	[tilespmem:s29+$0xFFFFFFE0] =	vst v6;
	v6 =	vshll.u32 v7, $0x2  }
0x48: {  	v5 =	vld.idx.msk [tilespmem:v5+s2+$0x0], $0xffff;
	v6 =	vor.u32 v0, v6  }
0x49: {  	v6 =	vor.u32 $0x1, v6;
	_ =	sdelay $0x1  }
0x4a: {  	s30 =	sadd.s32 $0x30, s11  }
0x4b: {  	v7 =	vmov s30  }
0x4c: {  	[tilespmem:s29+$0xFFFFFFF0] =	vst v5;
	v5 =	vshll.u32 v7, $0x2  }
0x4d: {  	v6 =	vld.idx.msk [tilespmem:v6+s2+$0x0], $0xffff;
	v5 =	vor.u32 v0, v5  }
0x4e: {  	v5 =	vor.u32 $0x1, v5;
	_ =	sdelay $0x3  }
0x4f: {  	[tilespmem:s29+$0x0] =	vst v6  }
0x50: {  	v5 =	vld.idx.msk [tilespmem:v5+s2+$0x0], $0xffff;
	_ =	sdelay $0x4  }
0x51: {  	s31 =	simm.s32 $0x0;
	[tilespmem:s29+$0x10] =	vst v5  }
0x52: {  	v5 =	vld.idx.msk [tilespmem:v1+s31+$0x0], $0xffff;
	_ =	sdelay $0x4  }
0x53: {  	[tilespmem:$0x5080] =	vst v5  }
0x54: {  	v5 =	vld.idx.msk [tilespmem:v2+s31+$0x0], $0xffff;
	[tilespmem:$0x50A0] =	vst v3  }
0x55: {  	[tilespmem:$0x6120] =	vst v3  }
0x56: {  	[tilespmem:$0x71A0] =	vst v3  }
0x57: {  	[tilespmem:$0x50B0] =	vst v3  }
0x58: {  	[tilespmem:$0x6130] =	vst v3  }
0x59: {  	[tilespmem:$0x71B0] =	vst v3  }
0x5a: {  	[tilespmem:$0x50C0] =	vst v3  }
0x5b: {  	[tilespmem:$0x6140] =	vst v3  }
0x5c: {  	[tilespmem:$0x71C0] =	vst v3  }
0x5d: {  	[tilespmem:$0x50D0] =	vst v3  }
0x5e: {  	[tilespmem:$0x6150] =	vst v3  }
0x5f: {  	[tilespmem:$0x71D0] =	vst v3  }
0x60: {  	[tilespmem:$0x50E0] =	vst v3  }
0x61: {  	[tilespmem:$0x6160] =	vst v3  }
0x62: {  	[tilespmem:$0x71E0] =	vst v3  }
0x63: {  	[tilespmem:$0x50F0] =	vst v3  }
0x64: {  	[tilespmem:$0x6170] =	vst v3  }
0x65: {  	[tilespmem:$0x71F0] =	vst v3  }
0x66: {  	s10 =	simm.s32 $0x0;
	[tilespmem:$0x5090] =	vst v5  }
0x67: {  	v5 =	vld [tilespmem:s10+$0x4090]  }
0x68: {  	v7 =	vld [tilespmem:s10+$0x4091]  }
0x69: {  	v6 =	vld [tilespmem:s10+$0x4080]  }
0x6a: {  	s11 =	simm.s32 $0x0;
	s12 =	simm.s32 $0x80;
	v8 =	vld [tilespmem:s10+$0x4081]  }
.LBB2_4:
0x6b: {  	p1 =	sne.s32 s12, $0x4080  }
.Ltmp1:
0x6c: {  	s13 =	sshra.s32 s12, $0x2;
	(pc) =	sbr.rel @p1 .LBB2_4-.Ltmp1, $4  }
0x6d: {  	s12 =	sadd.s32 $0x80, s12;
	v9 =	vmax.f32 v5, v7;
	v5 =	vld [tilespmem:s13+$0x4090]  }
0x6e: {  	v7 =	vld [tilespmem:s13+$0x4091];
	[tilespmem:s11+$0x5110] =	vst v9  }
0x6f: {  	v9 =	vmax.f32 v6, v8;
	v6 =	vld [tilespmem:s13+$0x4080]  }
0x70: {  	v8 =	vld [tilespmem:s13+$0x4081];
	[tilespmem:s11+$0x5100] =	vst v9;
	s11 =	smov.u32 s13  }
0x71: {  	_ =	sdelay $0x2  }
0x72: {  	v5 =	vmax.f32 v5, v7  }
0x73: {  	[tilespmem:s11+$0x5110] =	vst v5;
	v5 =	vmax.f32 v6, v8  }
0x74: {  	[tilespmem:s11+$0x5100] =	vst v5  }
0x75: {  	v5 =	vld [tilespmem:s10+$0x5110]  }
0x76: {  	v7 =	vld [tilespmem:s10+$0x5112]  }
0x77: {  	v6 =	vld [tilespmem:s10+$0x5100]  }
0x78: {  	s11 =	simm.s32 $0x80;
	v8 =	vld [tilespmem:s10+$0x5102]  }
.LBB2_6:
0x79: {  	p1 =	sne.s32 s11, $0x4080  }
.Ltmp2:
0x7a: {  	s12 =	sshra.s32 s11, $0x2;
	(pc) =	sbr.rel @p1 .LBB2_6-.Ltmp2, $4  }
0x7b: {  	s11 =	sadd.s32 $0x80, s11;
	v9 =	vmax.f32 v5, v7;
	v5 =	vld [tilespmem:s12+$0x5110]  }
0x7c: {  	v7 =	vld [tilespmem:s12+$0x5112];
	[tilespmem:s10+$0x6190] =	vst v9  }
0x7d: {  	v9 =	vmax.f32 v6, v8;
	v6 =	vld [tilespmem:s12+$0x5100]  }
0x7e: {  	v8 =	vld [tilespmem:s12+$0x5102];
	[tilespmem:s10+$0x6180] =	vst v9;
	s10 =	smov.u32 s12  }
0x7f: {  	_ =	sdelay $0x2  }
0x80: {  	v5 =	vmax.f32 v5, v7  }
0x81: {  	[tilespmem:s10+$0x6190] =	vst v5;
	v5 =	vmax.f32 v6, v8  }
0x82: {  	[tilespmem:s10+$0x6180] =	vst v5;
	s10 =	simm.s32 $0x0  }
0x83: {  	v5 =	vld [tilespmem:s10+$0x6190]  }
0x84: {  	v7 =	vld [tilespmem:s10+$0x6194]  }
0x85: {  	v6 =	vld [tilespmem:s10+$0x6180]  }
0x86: {  	s12 =	simm.s32 $0x80;
	s11 =	simm.s32 $0x0;
	v8 =	vld [tilespmem:s10+$0x6184]  }
.LBB2_8:
0x87: {  	p1 =	sne.s32 s12, $0x4080  }
.Ltmp3:
0x88: {  	s13 =	sshra.s32 s12, $0x2;
	(pc) =	sbr.rel @p1 .LBB2_8-.Ltmp3, $4  }
0x89: {  	s12 =	sadd.s32 $0x80, s12;
	v9 =	vmax.f32 v5, v7;
	v5 =	vld [tilespmem:s13+$0x6190]  }
0x8a: {  	v7 =	vld [tilespmem:s13+$0x6194];
	[tilespmem:s11+$0x5110] =	vst v9  }
0x8b: {  	v9 =	vmax.f32 v6, v8;
	v6 =	vld [tilespmem:s13+$0x6180]  }
0x8c: {  	v8 =	vld [tilespmem:s13+$0x6184];
	[tilespmem:s11+$0x5100] =	vst v9;
	s11 =	smov.u32 s13  }
0x8d: {  	_ =	sdelay $0x2  }
0x8e: {  	v5 =	vmax.f32 v5, v7  }
0x8f: {  	[tilespmem:s11+$0x5110] =	vst v5;
	v5 =	vmax.f32 v6, v8  }
0x90: {  	[tilespmem:s11+$0x5100] =	vst v5  }
0x91: {  	v5 =	vld [tilespmem:s10+$0x5110]  }
0x92: {  	v7 =	vld [tilespmem:s10+$0x5118]  }
0x93: {  	v6 =	vld [tilespmem:s10+$0x5100]  }
0x94: {  	s11 =	simm.s32 $0x80;
	v8 =	vld [tilespmem:s10+$0x5108]  }
.LBB2_10:
0x95: {  	p1 =	sne.s32 s11, $0x4080  }
.Ltmp4:
0x96: {  	s12 =	sshra.s32 s11, $0x2;
	(pc) =	sbr.rel @p1 .LBB2_10-.Ltmp4, $4  }
0x97: {  	s11 =	sadd.s32 $0x80, s11;
	v9 =	vmax.f32 v5, v7;
	v5 =	vld [tilespmem:s12+$0x5110]  }
0x98: {  	v7 =	vld [tilespmem:s12+$0x5118];
	[tilespmem:s10+$0x6190] =	vst v9  }
0x99: {  	v9 =	vmax.f32 v6, v8;
	v6 =	vld [tilespmem:s12+$0x5100]  }
0x9a: {  	v8 =	vld [tilespmem:s12+$0x5108];
	[tilespmem:s10+$0x6180] =	vst v9;
	s10 =	smov.u32 s12  }
0x9b: {  	_ =	sdelay $0x2  }
0x9c: {  	v5 =	vmax.f32 v5, v7  }
0x9d: {  	[tilespmem:s10+$0x6190] =	vst v5;
	v5 =	vmax.f32 v6, v8  }
0x9e: {  	[tilespmem:s10+$0x6180] =	vst v5;
	s10 =	simm.s32 $0x0  }
0x9f: {  	v5 =	vld [tilespmem:s10+$0x6190]  }
0xa0: {  	v6 =	vld [tilespmem:s10+$0x5120];
	_ =	sdelay $0x3  }
0xa1: {  	v7 =	vld [tilespmem:s10+$0x6180]  }
0xa2: {  	v8 =	vld [tilespmem:s10+$0x5110];
	v5 =	vmax.f32 v5, v6  }
0xa3: {  	v6 =	vadd.f32 $2.000000000e+00, v5;
	_ =	sdelay $0x1  }
0xa4: {  	v6 =	vmul.f32 $1.600000000e+01, v6;
	_ =	sdelay $0x1  }
0xa5: {  	v7 =	vmax.f32 v7, v8;
	v6 =	vmax.f32 v6, $-1.000000000e+00  }
0xa6: {  	v8 =	vadd.f32 $2.000000000e+00, v7;
	v6 =	vmin.f32 v6, $6.400000000e+01  }
0xa7: {  	s11 =	simm.s32 $0x20;
	v6 =	vadd.f32 $1.000000000e+00, v6  }
0xa8: {  	v9 =	vld [tilespmem:s11+$0x6190];
	v8 =	vmul.f32 $1.600000000e+01, v8  }
0xa9: {  	v10 =	vld [tilespmem:s11+$0x5120];
	v6 =	vtrunc.f32 v6  }
0xaa: {  	v12 =	vld [tilespmem:s11+$0x6180];
	v8 =	vmax.f32 v8, $-1.000000000e+00;
	v6 =	vcvt.f32.s32 v6  }
0xab: {  	v14 =	vld [tilespmem:s11+$0x5110];
	v8 =	vmin.f32 v8, $6.400000000e+01  }
0xac: {  	v8 =	vadd.f32 $1.000000000e+00, v8;
	v11 =	vadd.s32 $0xFFFFFFFF, v6;
	v6 =	vcvt.s32.f32 v6  }
0xad: {  	v13 =	vcvt.s32.f32 v11  }
0xae: {  	v8 =	vtrunc.f32 v8;
	v6 =	vmul.f32 $6.250000000e-02, v6  }
0xaf: {  	v8 =	vcvt.f32.s32 v8;
	v13 =	vmul.f32 $6.250000000e-02, v13  }
0xb0: {  	v9 =	vmax.f32 v9, v10;
	v12 =	vmax.f32 v12, v14;
	v6 =	vadd.f32 $-2.000000000e+00, v6  }
0xb1: {  	v15 =	vadd.s32 $0xFFFFFFFF, v8;
	v8 =	vcvt.s32.f32 v8;
	v10 =	vadd.f32 $-2.000000000e+00, v13  }
0xb2: {  	v16 =	vcvt.s32.f32 v15;
	v13 =	vadd.f32 $2.000000000e+00, v9;
	vm0 =	vge.f32 v5, v6  }
0xb3: {  	v8 =	vmul.f32 $6.250000000e-02, v8;
	vm1 =	vlt.f32 v5, v10;
	v5 =	vsel vm0, $0x1, v4  }
0xb4: {  	v6 =	vmul.f32 $1.600000000e+01, v13;
	v10 =	vsel vm1, $0xFFFFFFFF, v4;
	v5 =	vadd.s32 v5, v11  }
0xb5: {  	v16 =	vmul.f32 $6.250000000e-02, v16;
	v11 =	vadd.f32 $2.000000000e+00, v12;
	v5 =	vadd.s32 v10, v5  }
0xb6: {  	v8 =	vadd.f32 $-2.000000000e+00, v8;
	v6 =	vmax.f32 v6, $-1.000000000e+00;
	v10 =	vshra.s32 v5, $0x1F  }
0xb7: {  	v11 =	vmul.f32 $1.600000000e+01, v11;
	v6 =	vmin.f32 v6, $6.400000000e+01;
	v5 =	vor.u32 v10, v5  }
0xb8: {  	v13 =	vadd.f32 $-2.000000000e+00, v16;
	v6 =	vadd.f32 $1.000000000e+00, v6;
	vm1 =	vlt.s32 v5, $0x3F  }
0xb9: {  	vm0 =	vge.f32 v7, v8;
	v8 =	vmax.f32 v11, $-1.000000000e+00;
	v5 =	vnsel vm1, $0x3F, v5  }
0xba: {  	s12 =	simm.s32 $0x40;
	v8 =	vmin.f32 v8, $6.400000000e+01;
	v6 =	vtrunc.f32 v6;
	vm1 =	vlt.f32 v7, v13;
	[tilespmem:s10+$0x7210] =	vst v5  }
0xbb: {  	v7 =	vsel vm0, $0x1, v4;
	v5 =	vadd.f32 $1.000000000e+00, v8;
	v6 =	vcvt.f32.s32 v6;
	v10 =	vld [tilespmem:s12+$0x6190]  }
0xbc: {  	v8 =	vsel vm1, $0xFFFFFFFF, v4;
	v7 =	vadd.s32 v7, v15;
	v11 =	vld [tilespmem:s12+$0x5120]  }
0xbd: {  	v14 =	vld [tilespmem:s12+$0x6180];
	v5 =	vtrunc.f32 v5;
	v13 =	vadd.s32 $0xFFFFFFFF, v6;
	v6 =	vcvt.s32.f32 v6  }
0xbe: {  	v7 =	vadd.s32 v8, v7;
	v8 =	vld [tilespmem:s12+$0x5110];
	v5 =	vcvt.f32.s32 v5;
	v15 =	vcvt.s32.f32 v13  }
0xbf: {  	v62 =	vshra.s32 v7, $0x1F  }
0xc0: {  	v6 =	vmul.f32 $6.250000000e-02, v6;
	v17 =	vadd.s32 $0xFFFFFFFF, v5;
	v15 =	vmul.f32 $6.250000000e-02, v15  }
0xc1: {  	v7 =	vor.u32 v62, v7;
	v5 =	vcvt.s32.f32 v5;
	v18 =	vcvt.s32.f32 v17  }
0xc2: {  	v19 =	vadd.f32 $-2.000000000e+00, v6;
	v6 =	vmax.f32 v10, v11;
	v10 =	vadd.f32 $-2.000000000e+00, v15  }
0xc3: {  	v11 =	vmul.f32 $6.250000000e-02, v5;
	v15 =	vadd.f32 $2.000000000e+00, v6;
	v5 =	vmax.f32 v14, v8  }
0xc4: {  	v63 =	vmul.f32 $6.250000000e-02, v18;
	vm0 =	vge.f32 v9, v19;
	vm1 =	vlt.f32 v9, v10  }
0xc5: {  	v8 =	vsel vm0, $0x1, v4;
	v9 =	vmul.f32 $1.600000000e+01, v15;
	v11 =	vadd.f32 $-2.000000000e+00, v11  }
0xc6: {  	v10 =	vsel vm1, $0xFFFFFFFF, v4;
	v8 =	vadd.s32 v8, v13;
	v13 =	vadd.f32 $2.000000000e+00, v5  }
0xc7: {  	v8 =	vadd.s32 v10, v8;
	v9 =	vmax.f32 v9, $-1.000000000e+00;
	v10 =	vadd.f32 $-2.000000000e+00, v63  }
0xc8: {  	v14 =	vshra.s32 v8, $0x1F;
	v13 =	vmul.f32 $1.600000000e+01, v13;
	v9 =	vmin.f32 v9, $6.400000000e+01  }
0xc9: {  	vm0 =	vge.f32 v12, v11;
	v8 =	vor.u32 v14, v8;
	v9 =	vadd.f32 $1.000000000e+00, v9  }
0xca: {  	vm2 =	vlt.f32 v12, v10;
	vm1 =	vlt.s32 v8, $0x3F;
	v11 =	vmax.f32 v13, $-1.000000000e+00  }
0xcb: {  	v8 =	vnsel vm1, $0x3F, v8;
	v10 =	vmin.f32 v11, $6.400000000e+01;
	v9 =	vtrunc.f32 v9  }
0xcc: {  	s13 =	simm.s32 $0x60;
	v11 =	vsel vm0, $0x1, v4;
	[tilespmem:s11+$0x7210] =	vst v8;
	v12 =	vadd.f32 $1.000000000e+00, v10;
	v10 =	vcvt.f32.s32 v9  }
0xcd: {  	s14 =	simm.s32 $0x200;
	vm0 =	vlt.s32 v7, $0x3F;
	v9 =	vsel vm2, $0xFFFFFFFF, v4;
	v11 =	vadd.s32 v11, v17;
	v8 =	vld [tilespmem:s13+$0x6190]  }
.LBB2_12:
0xce: {  	p1 =	sne.s32 s14, $0x3F80;
	v13 =	vld [tilespmem:s13+$0x5120];
	v12 =	vtrunc.f32 v12;
	v14 =	vadd.s32 $0xFFFFFFFF, v10;
	v10 =	vcvt.s32.f32 v10  }
0xcf: {  	v9 =	vadd.s32 v9, v11;
	v15 =	vld [tilespmem:s13+$0x6180];
	v12 =	vcvt.f32.s32 v12;
	v16 =	vcvt.s32.f32 v14  }
0xd0: {  	v7 =	vnsel vm0, $0x3F, v7;
	v17 =	vshra.s32 v9, $0x1F;
	v11 =	vld [tilespmem:s13+$0x5110];
	v10 =	vmul.f32 $6.250000000e-02, v10  }
0xd1: {  	v18 =	vadd.s32 $0xFFFFFFFF, v12;
	v12 =	vcvt.s32.f32 v12;
	v16 =	vmul.f32 $6.250000000e-02, v16;
	[tilespmem:s10+$0x7200] =	vst v7;
	s10 =	smov.u32 s11;
	s11 =	smov.u32 s12;
	s12 =	smov.u32 s13  }
0xd2: {  	v7 =	vor.u32 v17, v9;
	v19 =	vcvt.s32.f32 v18;
	v10 =	vadd.f32 $-2.000000000e+00, v10  }
0xd3: {  	v8 =	vmax.f32 v8, v13;
	v9 =	vmul.f32 $6.250000000e-02, v12;
	v12 =	vadd.f32 $-2.000000000e+00, v16  }
0xd4: {  	v13 =	vadd.f32 $2.000000000e+00, v8;
	v16 =	vmul.f32 $6.250000000e-02, v19;
	vm0 =	vge.f32 v6, v10  }
0xd5: {  	v10 =	vmax.f32 v15, v11;
	vm1 =	vlt.f32 v6, v12;
	v11 =	vsel vm0, $0x1, v4;
	v6 =	vmovc v8  }
0xd6: {  	v8 =	vmul.f32 $1.600000000e+01, v13;
	v12 =	vsel vm1, $0xFFFFFFFF, v4;
	v11 =	vadd.s32 v11, v14  }
0xd7: {  	v9 =	vadd.f32 $-2.000000000e+00, v9;
	v13 =	vadd.f32 $2.000000000e+00, v10;
	v11 =	vadd.s32 v12, v11  }
0xd8: {  	v12 =	vadd.f32 $-2.000000000e+00, v16;
	v8 =	vmax.f32 v8, $-1.000000000e+00;
	v14 =	vshra.s32 v11, $0x1F  }
0xd9: {  	v13 =	vmul.f32 $1.600000000e+01, v13;
	v8 =	vmin.f32 v8, $6.400000000e+01;
	v11 =	vor.u32 v14, v11  }
.Ltmp5:
0xda: {  	vm0 =	vge.f32 v5, v9;
	v8 =	vadd.f32 $1.000000000e+00, v8;
	vm1 =	vlt.s32 v11, $0x3F;
	(pc) =	sbr.rel @p1 .LBB2_12-.Ltmp5, $4  }
0xdb: {  	vm2 =	vlt.f32 v5, v12;
	v5 =	vmovc v10;
	v9 =	vmax.f32 v13, $-1.000000000e+00;
	v11 =	vnsel vm1, $0x3F, v11  }
0xdc: {  	v13 =	vsel vm0, $0x1, v4;
	v9 =	vmin.f32 v9, $6.400000000e+01;
	v8 =	vtrunc.f32 v8;
	[tilespmem:s11+$0x7210] =	vst v11  }
0xdd: {  	s13 =	sshra.s32 s14, $0x2;
	v12 =	vadd.f32 $1.000000000e+00, v9;
	v9 =	vsel vm2, $0xFFFFFFFF, v4;
	v10 =	vcvt.f32.s32 v8  }
0xde: {  	s14 =	sadd.s32 $0x80, s14;
	vm0 =	vlt.s32 v7, $0x3F;
	v11 =	vadd.s32 v13, v18;
	v8 =	vld [tilespmem:s13+$0x6190]  }
0xdf: {  	v13 =	vld [tilespmem:s13+$0x5120]  }
0xe0: {  	v12 =	vtrunc.f32 v12;
	v14 =	vcvt.s32.f32 v10;
	v15 =	vld [tilespmem:s13+$0x6180];
	v41 =	vadd.s32 $0xFFFFFFFF, v10  }
0xe1: {  	v9 =	vadd.s32 v9, v11;
	v42 =	vld [tilespmem:s13+$0x5110];
	v7 =	vnsel vm0, $0x3F, v7;
	v12 =	vcvt.f32.s32 v12  }
0xe2: {  	v16 =	vcvt.s32.f32 v41;
	v17 =	vshra.s32 v9, $0x1F;
	v14 =	vmul.f32 $6.250000000e-02, v14  }
0xe3: {  	v9 =	vor.u32 v17, v9;
	v18 =	vadd.s32 $0xFFFFFFFF, v12;
	v12 =	vcvt.s32.f32 v12  }
0xe4: {  	v16 =	vmul.f32 $6.250000000e-02, v16;
	vm8 =	vlt.s32 v9, $0x3F;
	v8 =	vmax.f32 v8, v13  }
0xe5: {  	v43 =	vcvt.s32.f32 v18;
	v14 =	vadd.f32 $-2.000000000e+00, v14;
	v44 =	vadd.f32 $2.000000000e+00, v8  }
0xe6: {  	v12 =	vmul.f32 $6.250000000e-02, v12;
	v16 =	vadd.f32 $-2.000000000e+00, v16;
	v11 =	vmax.f32 v15, v42  }
0xe7: {  	vm5 =	vge.f32 v6, v14;
	v15 =	vadd.f32 $2.000000000e+00, v11;
	v45 =	vmul.f32 $1.600000000e+01, v44  }
0xe8: {  	v13 =	vmul.f32 $6.250000000e-02, v43;
	vm1 =	vlt.f32 v6, v16;
	v6 =	vsel vm5, $0x1, v4  }
0xe9: {  	v46 =	vadd.f32 $-2.000000000e+00, v12;
	v15 =	vmul.f32 $1.600000000e+01, v15;
	v14 =	vmax.f32 v45, $-1.000000000e+00  }
0xea: {  	v16 =	vsel vm1, $0xFFFFFFFF, v4;
	v6 =	vadd.s32 v6, v41;
	v47 =	vmin.f32 v14, $6.400000000e+01  }
0xeb: {  	v6 =	vadd.s32 v16, v6;
	v48 =	vmax.f32 v15, $-1.000000000e+00;
	v12 =	vadd.f32 $1.000000000e+00, v47  }
0xec: {  	v13 =	vadd.f32 $-2.000000000e+00, v13;
	v49 =	vshra.s32 v6, $0x1F;
	v14 =	vmin.f32 v48, $6.400000000e+01  }
0xed: {  	v6 =	vor.u32 v49, v6;
	v14 =	vadd.f32 $1.000000000e+00, v14;
	v12 =	vtrunc.f32 v12  }
0xee: {  	vm6 =	vge.f32 v5, v46;
	vm7 =	vlt.s32 v6, $0x3F;
	v50 =	vcvt.f32.s32 v12  }
0xef: {  	vm2 =	vlt.f32 v5, v13;
	v5 =	vnsel vm7, $0x3F, v6;
	v6 =	vtrunc.f32 v14  }
0xf0: {  	v6 =	vcvt.f32.s32 v6;
	v12 =	vadd.s32 $0xFFFFFFFF, v50;
	v10 =	vcvt.s32.f32 v50  }
0xf1: {  	[tilespmem:s10+$0x7200] =	vst v7;
	v7 =	vnsel vm8, $0x3F, v9;
	v53 =	vcvt.s32.f32 v12  }
0xf2: {  	v54 =	vadd.s32 $0xFFFFFFFF, v6;
	v6 =	vcvt.s32.f32 v6;
	v10 =	vmul.f32 $6.250000000e-02, v10  }
0xf3: {  	v51 =	vsel vm6, $0x1, v4;
	v55 =	vcvt.s32.f32 v54;
	v15 =	vmul.f32 $6.250000000e-02, v53  }
0xf4: {  	v52 =	vsel vm2, $0xFFFFFFFF, v4;
	v6 =	vmul.f32 $6.250000000e-02, v6;
	v10 =	vadd.f32 $-2.000000000e+00, v10  }
0xf5: {  	v13 =	vadd.s32 v51, v18;
	v57 =	vmul.f32 $6.250000000e-02, v55;
	v56 =	vadd.f32 $-2.000000000e+00, v15  }
0xf6: {  	v13 =	vadd.s32 v52, v13;
	v6 =	vadd.f32 $-2.000000000e+00, v6;
	vm9 =	vge.f32 v8, v10  }
0xf7: {  	v60 =	vadd.f32 $-2.000000000e+00, v57;
	vm10 =	vlt.f32 v8, v56;
	v59 =	vsel vm9, $0x1, v4  }
0xf8: {  	vm11 =	vge.f32 v11, v6;
	v14 =	vsel vm10, $0xFFFFFFFF, v4;
	v8 =	vadd.s32 v59, v12  }
0xf9: {  	vm12 =	vlt.f32 v11, v60;
	v61 =	vsel vm11, $0x1, v4;
	v6 =	vadd.s32 v14, v8  }
0xfa: {  	v11 =	vsel vm12, $0xFFFFFFFF, v4;
	v8 =	vadd.s32 v61, v54;
	v62 =	vshra.s32 v6, $0x1F  }
0xfb: {  	v58 =	vshra.s32 v13, $0x1F;
	v8 =	vadd.s32 v11, v8;
	v6 =	vor.u32 v62, v6  }
0xfc: {  	[tilespmem:s12+$0x7210] =	vst v5;
	v5 =	vor.u32 v58, v13;
	v63 =	vshra.s32 v8, $0x1F;
	vm13 =	vlt.s32 v6, $0x3F  }
0xfd: {  	[tilespmem:s11+$0x7200] =	vst v7;
	vm14 =	vlt.s32 v5, $0x3F;
	v7 =	vor.u32 v63, v8;
	v6 =	vnsel vm13, $0x3F, v6  }
0xfe: {  	s9 =	sadd.s32 $0x1, s9;
	v5 =	vnsel vm14, $0x3F, v5;
	vm15 =	vlt.s32 v7, $0x3F;
	[tilespmem:s13+$0x7210] =	vst v6  }
0xff: {  	p1 =	sne.s32 s9, s6;
	[tilespmem:s12+$0x7200] =	vst v5;
	v5 =	vnsel vm15, $0x3F, v7  }
.Ltmp6:
0x100: {  	[tilespmem:s13+$0x7200] =	vst v5;
	(pc) =	sbr.rel @p1 .LBB2_1-.Ltmp6, $4  }
0x101: {  	[hbm4b:s5+s2] =	stream.linear.scatter [tilespmem:s7], [sflag:$0x1], $0x1000, $0x38;
	[tilespmem:$0x8200] =	vst v63  }
0x102: {  	_ =	swait.ge [sflag:s8], $0x1000  }
0x103: {  	[sflag:s8] =	ssyncset.done $0x0  }
0x104: {  	[sflag:s8] =	ssyncadd.s32 $0xFFFFF000  }
0x105: {  	_ =	sfence.sel $0x180000  }
0x106: {  	[bflag:$0x0] =	sbarrier.arrive $0xFFFF  }
0x107: {  	p0 =	sne.s32 s1, $0x0;
	_ =	strace $0x90000047  }
0x108: {  	s0 =	sadd.s32 @!p0 $0x100000, s0;
	[bflag:$0x2] =	sbarrier.arrive $0xFFFF  }
0x109: {  	[sflag:s0] =	ssyncadd.tile.s32 @!p0 $0x1;
	_ =	shalt  }
.Lfunc_end2:
_tile_overlayer_lowered:
.L_overlay_start_2:
0x10a: {  	(tag) =	ssettag $0x2  }
0x10b: {  	s0 =	rddreg [dreg:$0x0];
	s2 =	stileid.u32  }
0x10c: {  	s1 =	rddreg [dreg:$0x1];
	p0 =	sne.s32 s2, $0x0  }
0x10d: {  	s3 =	rddreg [dreg:$0x2];
	[bflag:$0x3] =	sbarrier.arrive $0xFFFF;
	s2 =	simm.s32 @!p0 $0x1C01  }
0x10e: {  	[timem:s3], [sflag:s2] =	dma.local @!p0 [hbm:s0], s1  }
0x10f: {  	s0 =	simm.s32 @!p0 $0x1  }
0x110: {  	_ =	swait.ge @!p0 [sflag:s0], s1  }
0x111: {  	s1 =	ssub.s32 @!p0 $0x0, s1;
	[sflag:s0] =	ssyncset.done @!p0 $0x0  }
0x112: {  	[sflag:s0] =	ssyncadd.s32 @!p0 s1  }
0x113: {  	[bflag:$0x3] =	sbarrier.arrive $0xFFFF  }
0x114: {  	_ =	shalt  }

// kernel: kernel.9.cloned.1.call-start
scs
__scs_entry_jumppad:
0x0: {  	(pc) =	sbr.rel $0x88, $3  }
0x1: {  	(tag) =	ssettag $0x0;
	lr =	simm.s32 $0x1  }
0x2: {  	[smem:$0x3FA0] =	sst lr;
	_ =	strace $0xD0000000  }
0x3: {  	_ = 	snop  }
0x4: {  	_ = 	snop  }
0x5: {  	_ = 	snop  }
0x6: {  	_ = 	snop  }
0x7: {  	_ = 	snop  }
__scs_overlays_trampoline_lowered:
0x8: {  	[smem:$0x3FAF] =	sst s0  }
0x9: {  	[smem:$0x3FB0] =	sst s1  }
0xa: {  	[smem:$0x3FB1] =	sst s2  }
0xb: {  	[smem:$0x3FB2] =	sst s3  }
0xc: {  	[smem:$0x3FB3] =	sst s4  }
0xd: {  	[smem:$0x3FB4] =	sst s5  }
0xe: {  	[smem:$0x3FB5] =	sst s6  }
0xf: {  	[smem:$0x3FB6] =	sst s7  }
0x10: {  	[smem:$0x3FB7] =	sst s8  }
0x11: {  	[smem:$0x3FB8] =	sst s9;
	s0 =	simm.s32 @!p0 $0x0  }
0x12: {  	s1 =	sld [smem:$0x3F9E];
	s0 =	simm.s32 @p0 $0x1  }
0x13: {  	[smem:$0x3FB9] =	sst s0;
	s0 =	simm.s32 @!p1 $0x0  }
0x14: {  	s2 =	sld [smem:$0x3F9D];
	s0 =	simm.s32 @p1 $0x1  }
0x15: {  	[smem:$0x3FBA] =	sst s0;
	s0 =	simm.s32 @!p2 $0x0  }
0x16: {  	s3 =	sld [smem:$0x3FDB];
	s0 =	simm.s32 @p2 $0x1  }
0x17: {  	s4 =	simm.s32 $0x1BF5;
	[smem:$0x3FBC] =	sst s0  }
0x18: {  	s0 =	sld [smem:$0x3F9F];
	_ =	swait.ge [sflag:s4], $0x0  }
0x19: {  	s7 =	sld [smem:$0x3FA0]  }
0x1a: {  	s8 =	sadd.s32 $0xFFFFE003, lr  }
0x1b: {  	s9 =	sadd.s32 $0xFFFFFEF7, lr;
	s5 =	simm.s32 $0xFFFFFFFF;
	p2 =	slt.u32 s8, $0xFFFFF086  }
0x1c: {  	p1 =	slt.u32 s9, $0xF7A;
	s5 =	simm.s32 @!p2 $0x0  }
0x1d: {  	s5 =	simm.s32 @p1 $0x1;
	p0 =	seq.s32 s7, s2  }
0x1e: {  	s7 =	smul.u32 @!p0 $0xF7A, s2;
	p2 =	seq.s32 @!p0 s5, $0x0  }
0x1f: {  	s9 =	smul.u32 $0xF7A, s1;
	s8 =	simm.s32 @!p0 $0x1BF5;
	p2 =	por !p2, p0  }
0x20: {  	[sflag:s8] =	ssyncset.s32 @!p0 $0xFFFFF086;
	s6 =	sadd.s32 @!p0 s3, s7;
	s7 =	simm.s32 @!p0 $0x108  }
0x21: {  	s3 =	sadd.s32 s3, s9;
	s6 =	sadd.s32 @!p0 $0x88, s6;
	s7 =	simm.s32 @p2 $0x1082  }
0x22: {  	[simem:s7], [sflag:s8] =	dma.local @!p0 [hbm:s6], $0xF7A  }
0x23: {  	s9 =	sor.u32 $0xD0000000, s2;
	s6 =	simm.s32 $0x108;
	_ =	swait.ge @!p0 [sflag:s8], $0x0  }
0x24: {  	s3 =	sadd.s32 $0x88, s3;
	s6 =	simm.s32 @!p1 $0x1082;
	[sflag:s4] =	ssyncset.s32 $0xFFFFF086  }
0x25: {  	[simem:s6], [sflag:s4] =	dma.local [hbm:s3], $0xF7A  }
0x26: {  	[smem:$0x3FA0] =	sst s1;
	(tag) =	ssettag s2;
	_ =	strace s9  }
0x27: {  	s1 =	sld [smem:$0x3FB0]  }
0x28: {  	s2 =	sld [smem:$0x3FB1]  }
0x29: {  	s4 =	sld [smem:$0x3FB3]  }
0x2a: {  	p0 =	seq.s32 s5, $0x0;
	s5 =	sld [smem:$0x3FB4]  }
0x2b: {  	s6 =	sld [smem:$0x3FB5]  }
0x2c: {  	s7 =	sld [smem:$0x3FB6]  }
0x2d: {  	s3 =	simm.s32 $0x108;
	s8 =	sld [smem:$0x3FB7]  }
0x2e: {  	s3 =	simm.s32 @!p0 $0x1082;
	s9 =	sld [smem:$0x3FB8]  }
0x2f: {  	lr =	sadd.s32 s0, s3;
	s0 =	sld [smem:$0x3FAF]  }
0x30: {  	s3 =	sld [smem:$0x3FB2]  }
0x31: {  	[smem:$0x3FBB] =	sst s10  }
0x32: {  	s10 =	sld [smem:$0x3FB9];
	_ =	sdelay $0x3  }
0x33: {  	p0 =	seq.s32 s10, $0x1;
	s10 =	sld [smem:$0x3FBB];
	_ =	sdelay $0x3  }
0x34: {  	[smem:$0x3FBB] =	sst s10  }
0x35: {  	s10 =	sld [smem:$0x3FBA];
	_ =	sdelay $0x3  }
0x36: {  	p1 =	seq.s32 s10, $0x1;
	s10 =	sld [smem:$0x3FBB];
	_ =	sdelay $0x3  }
0x37: {  	[smem:$0x3FBB] =	sst s10  }
0x38: {  	s10 =	sld [smem:$0x3FBC]  }
0x39: {  	_ = 	snop;
	(pc) =	sbr.ind lr, $3  }
0x3a: {  	_ = 	snop  }
0x3b: {  	_ = 	snop  }
0x3c: {  	p2 =	seq.s32 s10, $0x1;
	s10 =	sld [smem:$0x3FBB]  }
0x3d: {  	_ =	shalt  }
0x3e: {  	_ =	shalt  }
0x3f: {  	_ =	shalt  }
0x40: {  	_ =	shalt  }
0x41: {  	_ =	shalt  }
0x42: {  	_ =	shalt  }
0x43: {  	_ =	shalt  }
0x44: {  	_ =	shalt  }
0x45: {  	_ =	shalt  }
0x46: {  	_ =	shalt  }
0x47: {  	_ =	shalt  }
0x48: {  	_ =	shalt  }
0x49: {  	_ =	shalt  }
0x4a: {  	_ =	shalt  }
0x4b: {  	_ =	shalt  }
0x4c: {  	_ =	shalt  }
0x4d: {  	_ =	shalt  }
0x4e: {  	_ =	shalt  }
0x4f: {  	_ =	shalt  }
0x50: {  	_ =	shalt  }
0x51: {  	_ =	shalt  }
0x52: {  	_ =	shalt  }
0x53: {  	_ =	shalt  }
0x54: {  	_ =	shalt  }
0x55: {  	_ =	shalt  }
0x56: {  	_ =	shalt  }
0x57: {  	_ =	shalt  }
0x58: {  	_ =	shalt  }
0x59: {  	_ =	shalt  }
0x5a: {  	_ =	shalt  }
0x5b: {  	_ =	shalt  }
0x5c: {  	_ =	shalt  }
0x5d: {  	_ =	shalt  }
0x5e: {  	_ =	shalt  }
0x5f: {  	_ =	shalt  }
0x60: {  	_ =	shalt  }
0x61: {  	_ =	shalt  }
0x62: {  	_ =	shalt  }
0x63: {  	_ =	shalt  }
0x64: {  	_ =	shalt  }
0x65: {  	_ =	shalt  }
0x66: {  	_ =	shalt  }
0x67: {  	_ =	shalt  }
0x68: {  	_ =	shalt  }
0x69: {  	_ =	shalt  }
0x6a: {  	_ =	shalt  }
0x6b: {  	_ =	shalt  }
0x6c: {  	_ =	shalt  }
0x6d: {  	_ =	shalt  }
0x6e: {  	_ =	shalt  }
0x6f: {  	_ =	shalt  }
0x70: {  	_ =	shalt  }
0x71: {  	_ =	shalt  }
0x72: {  	_ =	shalt  }
0x73: {  	_ =	shalt  }
0x74: {  	_ =	shalt  }
0x75: {  	_ =	shalt  }
0x76: {  	_ =	shalt  }
0x77: {  	_ =	shalt  }
0x78: {  	_ =	shalt  }
0x79: {  	_ =	shalt  }
0x7a: {  	_ =	shalt  }
0x7b: {  	_ =	shalt  }
0x7c: {  	_ =	shalt  }
0x7d: {  	_ =	shalt  }
0x7e: {  	_ =	shalt  }
0x7f: {  	_ =	shalt  }
0x80: {  	_ =	shalt  }
0x81: {  	_ =	shalt  }
0x82: {  	_ =	shalt  }
0x83: {  	_ =	shalt  }
0x84: {  	_ =	shalt  }
0x85: {  	_ =	shalt  }
0x86: {  	_ =	shalt  }
0x87: {  	_ =	shalt  }
.Lfunc_end0:
.L_simem_size_0:
called_computation.1_lowered:
.L_overlay_start_0:
0x88: {  	s2 =	sld [smem:$0x3FD9]  }
0x89: {  	s3 =	sld [smem:$0x3FFE];
	_ =	sdelay $0x1  }
0x8a: {  	s1 =	srdreg.scid  }
0x8b: {  	s0 =	sand.u32 $0x1, s1  }
0x8c: {  	s17 =	sshll.u32 s0, $0xA;
	s2 =	sadd.s32 s3, s2  }
0x8d: {  	s2 =	sadd.s32 s2, s17  }
0x8e: {  	[smem:$0x3FC7] =	sst s2  }
0x8f: {  	_ = 	snop  }
0x90: {  	s18 =	sld [smem:$0x3FD0];
	(tm) =	ssettm $0x1  }
0x91: {  	s19 =	sld [smem:$0x3FFB];
	_ =	sdelay $0x3  }
0x92: {  	_ =	strace s19  }
0x93: {  	s2 =	sld [smem:$0x3FFC];
	_ =	sdelay $0x3  }
0x94: {  	_ =	strace s2  }
0x95: {  	s2 =	sld [smem:$0x3FFD];
	_ =	sdelay $0x3  }
0x96: {  	_ =	strace s2  }
0x97: {  	_ =	strace $0x8FFFFFFF  }
0x98: {  	s20 =	sld [smem:$0x3FDB];
	_ =	sdelay $0x1  }
0x99: {  	s4 =	simm.s32 $_scs_section_size  }
0x9a: {  	s5 =	simm.s32 $_size__tile_overlayer_lowered;
	s6 =	simm.s32 $_tile_overlayer_lowered  }
0x9b: {  	s7 =	simm.s32 $0x1BFF;
	s21 =	sshll.u32 s6, $0x1;
	s4 =	sadd.s32 s4, s20  }
0x9c: {  	s22 =	simm.s32 $0x0;
	s5 =	sshll.u32 s5, $0x1;
	s6 =	sadd.s32 s21, s4  }
0x9d: {  	[timem:s22], [sflag:s7] =	dma.local [hbm:s6], s5  }
0x9e: {  	_ =	swait.ge [sflag:s7], s5  }
0x9f: {  	s5 =	ssub.s32 $0x0, s5;
	[sflag:s7] =	ssyncset.done $0x0  }
0xa0: {  	[sflag:s7] =	ssyncadd.s32 s5;
	_ =	sdelay $0x1  }
0xa1: {  	s23 =	simm.s32 $0x1B8B  }
0xa2: {  	_ =	swait.ge [sflag:s23], $0x1  }
0xa3: {  	[sflag:s23] =	ssyncset.done $0x0  }
0xa4: {  	[sflag:s23] =	ssyncadd.s32 $0xFFFFFFFF  }
0xa5: {  	s5 =	sld [smem:$0x0]  }
0xa6: {  	s6 =	sand.u32 $0xFFFFFFFE, s1  }
0xa7: {  	p0 =	sne.s32 s1, s6  }
0xa8: {  	s6 =	sshll.u32 @p0 s6, $0xE  }
0xa9: {  	s6 =	sadd.s32 @p0 $0x11B8D, s6;
	s7 =	sshll.u32 @p0 s5, $0x11  }
0xaa: {  	s6 =	sor.u32 @p0 s7, s6  }
0xab: {  	[sflag:s6] =	ssyncadd.remote.s32 @p0 $0x1;
	_ =	sdelay $0x1  }
0xac: {  	s6 =	simm.s32 @p0 $0x1B8D  }
0xad: {  	_ =	swait.eq @p0 [sflag:s6], $0x1  }
0xae: {  	[sflag:s6] =	ssyncadd.s32 @p0 $0xFFFFFFFF  }
0xaf: {  	s7 =	sshll.u32 @!p0 s1, $0xE  }
0xb0: {  	s7 =	sor.u32 @!p0 $0x4000, s7;
	s6 =	simm.s32 @!p0 $0x1B8D  }
0xb1: {  	s5 =	sshll.u32 @!p0 s5, $0x11;
	s7 =	sadd.s32 @!p0 $0x11B8D, s7;
	_ =	swait.eq @!p0 [sflag:s6], $0x1  }
0xb2: {  	s5 =	sor.u32 @!p0 s5, s7;
	[sflag:s6] =	ssyncadd.s32 @!p0 $0xFFFFFFFF  }
0xb3: {  	s25 =	simm.s32 $0x1B8E;
	s24 =	sld [smem:$0x3FFE];
	[sflag:s5] =	ssyncadd.remote.s32 @!p0 $0x1  }
0xb4: {  	s26 =	simm.s32 $execute0_lowered;
	[smem:$0x3FD2] =	sst s25  }
0xb5: {  	s6 =	sshll.u32 s26, $0x1;
	_ =	strace $0x80000049;
	[dreg:$0x1] =	wrdreg $0xFFFFFFFF  }
0xb6: {  	s28 =	simm.s32 $_size_execute0_lowered;
	s4 =	sadd.s32 s4, s6;
	[dreg:$0x0] =	wrdreg $0x0  }
0xb7: {  	s6 =	sshll.u32 s28, $0x1;
	[dreg:$0x2] =	wrdreg s4  }
0xb8: {  	[dreg:$0x3] =	wrdreg s6  }
0xb9: {  	[dreg:$0x4] =	wrdreg $0xC0  }
0xba: {  	_ =	task [dreg:s22], $0x5FFFF  }
0xbb: {  	[dreg:$0x1] =	wrdreg $0xFFFFFFFF  }
0xbc: {  	[dreg:$0x0] =	wrdreg $0x60  }
0xbd: {  	[dreg:$0x2] =	wrdreg s18  }
0xbe: {  	[dreg:$0x3] =	wrdreg s24  }
0xbf: {  	[dreg:$0x4] =	wrdreg $0xA  }
0xc0: {  	_ =	task.clear_ibuf [dreg:s22], $0x5FFFF;
	_ =	strace $0x90000049  }
0xc1: {  	s29 =	simm.s32 $0xA;
	_ =	strace $0x8000004B  }
0xc2: {  	_ =	swait.ge [sflag:s29], $0x1  }
0xc3: {  	[sflag:s29] =	ssyncadd.s32 $0xFFFFFFFF  }
0xc4: {  	_ =	strace $0x9000004B  }
0xc5: {  	_ =	sfence  }
0xc6: {  	s30 =	sld [smem:$0x0];
	_ =	sdelay $0x2  }
0xc7: {  	s31 =	sshll.u32 s1, $0xD;
	s1 =	sshrl.u32 s1, $0x2  }
0xc8: {  	s4 =	sand.u32 $0x4000, s31;
	s1 =	sadd.s32 s1, s30  }
0xc9: {  	s0 =	sor.u32 s4, s0;
	s1 =	sshll.u32 s1, $0x11  }
0xca: {  	s0 =	sor.u32 s1, s0  }
0xcb: {  	s0 =	sadd.s32 $0x8F2B, s0  }
0xcc: {  	[sflag:s0] =	ssyncadd.remote.s32 $0x1  }
0xcd: {  	_ =	sfence.sel $0xFFFF  }
0xce: {  	[dreg:$0x0] =	wrdreg $0xFFFFFFFF;
	(pc) =	sbr.abs _section_cstart, $3  }
0xcf: {  	[dreg:$0x1] =	wrdreg $0xFFFFFFFF  }
0xd0: {  	_ =	task.clear_ibuf [dreg:s22], $0x2FFFF;
	_ =	strace $0x9FFFFFFF  }
0xd1: {  	(tm) =	ssettm $0x7FFFFFFF  }
tec
execute0_lowered:
.L_overlay_start_1:
0x0: {  	(tag) =	ssettag $0x1  }
0x1: {  	s4 =	rddreg [dreg:$0x0]  }
0x2: {  	s3 =	rddreg [dreg:$0x1]  }
0x3: {  	s0 =	rddreg [dreg:$0x2];
	s2 =	simm.s32 $0x0;
	s1 =	stileid.u32  }
0x4: {  	s5 =	srdreg.scid;
	[smem:$0x7FF] =	sst s2  }
0x5: {  	s6 =	sshrl.u32 s1, $0x3;
	s5 =	sand.u32 $0x1, s5;
	s9 =	sshll.u32 s1, $0x1  }
0x6: {  	s29 =	sshll.u32 s1, $0xD;
	_ =	strace $0x8000004A;
	s7 =	sshll.u32 s6, $0x9  }
0x7: {  	s8 =	ssub.s32 $0x2, s5;
	s9 =	sand.u32 $0xE, s9;
	s6 =	sand.u32 $0x1, s6  }
0x8: {  	s7 =	sadd.s32 s7, s3;
	s26 =	sshrl.u32 s8, $0x1;
	s28 =	sor.u32 s5, s9  }
0x9: {  	s5 =	sand.u32 $0x8000, s29;
	p0 =	seq.s32 s6, $0x1;
	s9 =	sshll.u32 s28, $0x4  }
0xa: {  	s8 =	ssub.s32 s8, s26;
	s10 =	sshll.u32 s28, $0xA;
	s30 =	sand.u32 $0x70, s9  }
0xb: {  	v0 =	vlaneseq.u32;
	s5 =	sor.u32 $0x10000, s5;
	s31 =	sadd.s32 s10, s7;
	s9 =	sadd.s32 s4, s30  }
0xc: {  	v0 =	vmul.u32 $0x4, v0;
	s7 =	simm.s32 $0x7200;
	s6 =	sor.u32 s5, s30;
	s3 =	sadd.s32 s5, s9  }
0xd: {  	v3 =	vimm.f32 $-Inf;
	s4 =	sadd.s32 s6, s4;
	s5 =	sadd.s32 $0x4C00, s31;
	s6 =	smax.u32 s8, $0x1  }
0xe: {  	v4 =	vimm.s32 $0x0;
	v1 =	vor.u32 $0x4001, v0;
	v2 =	vor.u32 $0x4041, v0;
	s8 =	simm.s32 $0x1;
	s9 =	simm.s32 $0x0;
	s4 =	sadd.s32 $0x4000, s4  }
.LBB2_1:
0xf: {  	s10 =	simm.s32 @p0 $0x80;
	s11 =	simm.s32 @p0 $0x400;
	s12 =	simm.s32 @p0 $0x0  }
0x10: {  	[tilespmem:s12], [sflag:$0x1] =	stream.strided.gather @p0 [hbm4b:s4+s10], $0x4000, s11, s10, $0x38;
	[tilespmem:$0x8200] =	vst v63  }
0x11: {  	s10 =	simm.s32 @p0 $0x1  }
0x12: {  	v5 =	vmov s2;
	_ =	swait.ge @p0 [sflag:s10], $0x4000  }
0x13: {  	v5 =	vshll.u32 v5, $0x2;
	s11 =	simm.s32 @!p0 $0x400;
	[sflag:s10] =	ssyncset.done @p0 $0x0  }
0x14: {  	s12 =	simm.s32 @!p0 $0x0;
	v5 =	vor.u32 v0, v5;
	[sflag:s10] =	ssyncadd.s32 @p0 $0xFFFFC000;
	s10 =	simm.s32 @!p0 $0x80  }
0x15: {  	v5 =	vor.u32 $0x1, v5;
	[tilespmem:s12], [sflag:$0x1] =	stream.strided.gather @!p0 [hbm4b:s3+s10], $0x4080, s11, s10, $0x38;
	[tilespmem:$0x8200] =	vst v63  }
0x16: {  	s10 =	simm.s32 @!p0 $0x1  }
0x17: {  	s29 =	simm.s32 $0x10;
	_ =	swait.ge @!p0 [sflag:s10], $0x4080  }
0x18: {  	v6 =	vmov s29;
	[sflag:s10] =	ssyncset.done @!p0 $0x0  }
0x19: {  	v6 =	vshll.u32 v6, $0x2;
	[sflag:s10] =	ssyncadd.s32 @!p0 $0xFFFFBF80  }
0x1a: {  	v6 =	vor.u32 v0, v6;
	v5 =	vld.idx.msk [tilespmem:v5+s2+$0x0], $0xffff  }
0x1b: {  	v6 =	vor.u32 $0x1, v6;
	_ =	sdelay $0x1  }
0x1c: {  	s30 =	simm.s32 $0x20  }
0x1d: {  	v7 =	vmov s30;
	s10 =	simm.s32 $0x40A0  }
0x1e: {  	[tilespmem:s10+$0xFFFFFFE0] =	vst v5;
	v5 =	vshll.u32 v7, $0x2  }
0x1f: {  	v6 =	vld.idx.msk [tilespmem:v6+s2+$0x0], $0xffff;
	v5 =	vor.u32 v0, v5  }
0x20: {  	v5 =	vor.u32 $0x1, v5;
	_ =	sdelay $0x3  }
0x21: {  	s31 =	simm.s32 $0x30;
	[tilespmem:s10+$0xFFFFFFF0] =	vst v6  }
0x22: {  	v7 =	vld.idx.msk [tilespmem:v5+s2+$0x0], $0xffff;
	v5 =	vmov s31  }
0x23: {  	v5 =	vshll.u32 v5, $0x2  }
0x24: {  	v5 =	vor.u32 v0, v5  }
0x25: {  	v5 =	vor.u32 $0x1, v5;
	_ =	sdelay $0x2  }
0x26: {  	s11 =	simm.s32 $0x40  }
0x27: {  	s12 =	simm.s32 $0x80;
	v6 =	vmov s11;
	[tilespmem:s10+$0x0] =	vst v7  }
.LBB2_2:
0x28: {  	p1 =	sne.s32 s12, $0xFC0;
	v6 =	vshll.u32 v6, $0x2;
	v5 =	vld.idx.msk [tilespmem:v5+s2+$0x0], $0xffff  }
0x29: {  	v6 =	vor.u32 v0, v6  }
0x2a: {  	v6 =	vor.u32 $0x1, v6;
	_ =	sdelay $0x2  }
0x2b: {  	s13 =	sadd.s32 $0x10, s11  }
0x2c: {  	v7 =	vmov s13;
	[tilespmem:s10+$0x10] =	vst v5  }
0x2d: {  	v5 =	vld.idx.msk [tilespmem:v6+s2+$0x0], $0xffff;
	v6 =	vshll.u32 v7, $0x2  }
0x2e: {  	v6 =	vor.u32 v0, v6  }
0x2f: {  	v6 =	vor.u32 $0x1, v6;
	_ =	sdelay $0x2  }
0x30: {  	s13 =	sadd.s32 $0x20, s11;
	s10 =	sadd.s32 $0x40, s10  }
0x31: {  	[tilespmem:s10+$0xFFFFFFE0] =	vst v5;
	v5 =	vmov s13  }
0x32: {  	v6 =	vld.idx.msk [tilespmem:v6+s2+$0x0], $0xffff;
	v5 =	vshll.u32 v5, $0x2  }
0x33: {  	v5 =	vor.u32 v0, v5  }
0x34: {  	v5 =	vor.u32 $0x1, v5;
	_ =	sdelay $0x2  }
0x35: {  	s13 =	sadd.s32 $0x30, s11;
	s11 =	smov.u32 s12  }
0x36: {  	[tilespmem:s10+$0xFFFFFFF0] =	vst v6;
	v6 =	vmov s13  }
0x37: {  	v7 =	vld.idx.msk [tilespmem:v5+s2+$0x0], $0xffff;
	v5 =	vshll.u32 v6, $0x2  }
0x38: {  	v5 =	vor.u32 v0, v5  }
.Ltmp0:
0x39: {  	v5 =	vor.u32 $0x1, v5;
	(pc) =	sbr.rel @p1 .LBB2_2-.Ltmp0, $2  }
0x3a: {  	_ =	sdelay $0x2  }
0x3b: {  	s12 =	sadd.s32 $0x40, s12;
	v6 =	vmov s11;
	[tilespmem:s10+$0x0] =	vst v7  }
0x3c: {  	_ =	sdelay $0x2  }
0x3d: {  	v6 =	vshll.u32 v6, $0x2  }
0x3e: {  	v5 =	vld.idx.msk [tilespmem:v5+s2+$0x0], $0xffff;
	v6 =	vor.u32 v0, v6  }
0x3f: {  	v6 =	vor.u32 $0x1, v6;
	_ =	sdelay $0x1  }
0x40: {  	s12 =	sadd.s32 $0x10, s11  }
0x41: {  	v7 =	vmov s12  }
0x42: {  	[tilespmem:s10+$0x10] =	vst v5;
	v5 =	vshll.u32 v7, $0x2  }
0x43: {  	v5 =	vor.u32 v0, v5;
	v6 =	vld.idx.msk [tilespmem:v6+s2+$0x0], $0xffff  }
0x44: {  	v5 =	vor.u32 $0x1, v5;
	_ =	sdelay $0x1  }
0x45: {  	s28 =	sadd.s32 $0x20, s11  }
0x46: {  	s29 =	sadd.s32 $0x40, s10;
	v7 =	vmov s28  }
0x47: {  	[tilespmem:s29+$0xFFFFFFE0] =	vst v6;
	v6 =	vshll.u32 v7, $0x2  }
0x48: {  	v5 =	vld.idx.msk [tilespmem:v5+s2+$0x0], $0xffff;
	v6 =	vor.u32 v0, v6  }
0x49: {  	v6 =	vor.u32 $0x1, v6;
	_ =	sdelay $0x1  }
0x4a: {  	s30 =	sadd.s32 $0x30, s11  }
0x4b: {  	v7 =	vmov s30  }
0x4c: {  	[tilespmem:s29+$0xFFFFFFF0] =	vst v5;
	v5 =	vshll.u32 v7, $0x2  }
0x4d: {  	v6 =	vld.idx.msk [tilespmem:v6+s2+$0x0], $0xffff;
	v5 =	vor.u32 v0, v5  }
0x4e: {  	v5 =	vor.u32 $0x1, v5;
	_ =	sdelay $0x3  }
0x4f: {  	[tilespmem:s29+$0x0] =	vst v6  }
0x50: {  	v5 =	vld.idx.msk [tilespmem:v5+s2+$0x0], $0xffff;
	_ =	sdelay $0x4  }
0x51: {  	s31 =	simm.s32 $0x0;
	[tilespmem:s29+$0x10] =	vst v5  }
0x52: {  	v5 =	vld.idx.msk [tilespmem:v1+s31+$0x0], $0xffff;
	_ =	sdelay $0x4  }
0x53: {  	[tilespmem:$0x5080] =	vst v5  }
0x54: {  	v5 =	vld.idx.msk [tilespmem:v2+s31+$0x0], $0xffff;
	[tilespmem:$0x50A0] =	vst v3  }
0x55: {  	[tilespmem:$0x6120] =	vst v3  }
0x56: {  	[tilespmem:$0x71A0] =	vst v3  }
0x57: {  	[tilespmem:$0x50B0] =	vst v3  }
0x58: {  	[tilespmem:$0x6130] =	vst v3  }
0x59: {  	[tilespmem:$0x71B0] =	vst v3  }
0x5a: {  	[tilespmem:$0x50C0] =	vst v3  }
0x5b: {  	[tilespmem:$0x6140] =	vst v3  }
0x5c: {  	[tilespmem:$0x71C0] =	vst v3  }
0x5d: {  	[tilespmem:$0x50D0] =	vst v3  }
0x5e: {  	[tilespmem:$0x6150] =	vst v3  }
0x5f: {  	[tilespmem:$0x71D0] =	vst v3  }
0x60: {  	[tilespmem:$0x50E0] =	vst v3  }
0x61: {  	[tilespmem:$0x6160] =	vst v3  }
0x62: {  	[tilespmem:$0x71E0] =	vst v3  }
0x63: {  	[tilespmem:$0x50F0] =	vst v3  }
0x64: {  	[tilespmem:$0x6170] =	vst v3  }
0x65: {  	[tilespmem:$0x71F0] =	vst v3  }
0x66: {  	s10 =	simm.s32 $0x0;
	[tilespmem:$0x5090] =	vst v5  }
0x67: {  	v5 =	vld [tilespmem:s10+$0x4090]  }
0x68: {  	v7 =	vld [tilespmem:s10+$0x4091]  }
0x69: {  	v6 =	vld [tilespmem:s10+$0x4080]  }
0x6a: {  	s11 =	simm.s32 $0x0;
	s12 =	simm.s32 $0x80;
	v8 =	vld [tilespmem:s10+$0x4081]  }
.LBB2_4:
0x6b: {  	p1 =	sne.s32 s12, $0x4080  }
.Ltmp1:
0x6c: {  	s13 =	sshra.s32 s12, $0x2;
	(pc) =	sbr.rel @p1 .LBB2_4-.Ltmp1, $4  }
0x6d: {  	s12 =	sadd.s32 $0x80, s12;
	v9 =	vmax.f32 v5, v7;
	v5 =	vld [tilespmem:s13+$0x4090]  }
0x6e: {  	v7 =	vld [tilespmem:s13+$0x4091];
	[tilespmem:s11+$0x5110] =	vst v9  }
0x6f: {  	v9 =	vmax.f32 v6, v8;
	v6 =	vld [tilespmem:s13+$0x4080]  }
0x70: {  	v8 =	vld [tilespmem:s13+$0x4081];
	[tilespmem:s11+$0x5100] =	vst v9;
	s11 =	smov.u32 s13  }
0x71: {  	_ =	sdelay $0x2  }
0x72: {  	v5 =	vmax.f32 v5, v7  }
0x73: {  	[tilespmem:s11+$0x5110] =	vst v5;
	v5 =	vmax.f32 v6, v8  }
0x74: {  	[tilespmem:s11+$0x5100] =	vst v5  }
0x75: {  	v5 =	vld [tilespmem:s10+$0x5110]  }
0x76: {  	v7 =	vld [tilespmem:s10+$0x5112]  }
0x77: {  	v6 =	vld [tilespmem:s10+$0x5100]  }
0x78: {  	s11 =	simm.s32 $0x80;
	v8 =	vld [tilespmem:s10+$0x5102]  }
.LBB2_6:
0x79: {  	p1 =	sne.s32 s11, $0x4080  }
.Ltmp2:
0x7a: {  	s12 =	sshra.s32 s11, $0x2;
	(pc) =	sbr.rel @p1 .LBB2_6-.Ltmp2, $4  }
0x7b: {  	s11 =	sadd.s32 $0x80, s11;
	v9 =	vmax.f32 v5, v7;
	v5 =	vld [tilespmem:s12+$0x5110]  }
0x7c: {  	v7 =	vld [tilespmem:s12+$0x5112];
	[tilespmem:s10+$0x6190] =	vst v9  }
0x7d: {  	v9 =	vmax.f32 v6, v8;
	v6 =	vld [tilespmem:s12+$0x5100]  }
0x7e: {  	v8 =	vld [tilespmem:s12+$0x5102];
	[tilespmem:s10+$0x6180] =	vst v9;
	s10 =	smov.u32 s12  }
0x7f: {  	_ =	sdelay $0x2  }
0x80: {  	v5 =	vmax.f32 v5, v7  }
0x81: {  	[tilespmem:s10+$0x6190] =	vst v5;
	v5 =	vmax.f32 v6, v8  }
0x82: {  	[tilespmem:s10+$0x6180] =	vst v5;
	s10 =	simm.s32 $0x0  }
0x83: {  	v5 =	vld [tilespmem:s10+$0x6190]  }
0x84: {  	v7 =	vld [tilespmem:s10+$0x6194]  }
0x85: {  	v6 =	vld [tilespmem:s10+$0x6180]  }
0x86: {  	s12 =	simm.s32 $0x80;
	s11 =	simm.s32 $0x0;
	v8 =	vld [tilespmem:s10+$0x6184]  }
.LBB2_8:
0x87: {  	p1 =	sne.s32 s12, $0x4080  }
.Ltmp3:
0x88: {  	s13 =	sshra.s32 s12, $0x2;
	(pc) =	sbr.rel @p1 .LBB2_8-.Ltmp3, $4  }
0x89: {  	s12 =	sadd.s32 $0x80, s12;
	v9 =	vmax.f32 v5, v7;
	v5 =	vld [tilespmem:s13+$0x6190]  }
0x8a: {  	v7 =	vld [tilespmem:s13+$0x6194];
	[tilespmem:s11+$0x5110] =	vst v9  }
0x8b: {  	v9 =	vmax.f32 v6, v8;
	v6 =	vld [tilespmem:s13+$0x6180]  }
0x8c: {  	v8 =	vld [tilespmem:s13+$0x6184];
	[tilespmem:s11+$0x5100] =	vst v9;
	s11 =	smov.u32 s13  }
0x8d: {  	_ =	sdelay $0x2  }
0x8e: {  	v5 =	vmax.f32 v5, v7  }
0x8f: {  	[tilespmem:s11+$0x5110] =	vst v5;
	v5 =	vmax.f32 v6, v8  }
0x90: {  	[tilespmem:s11+$0x5100] =	vst v5  }
0x91: {  	v5 =	vld [tilespmem:s10+$0x5110]  }
0x92: {  	v7 =	vld [tilespmem:s10+$0x5118]  }
0x93: {  	v6 =	vld [tilespmem:s10+$0x5100]  }
0x94: {  	s11 =	simm.s32 $0x80;
	v8 =	vld [tilespmem:s10+$0x5108]  }
.LBB2_10:
0x95: {  	p1 =	sne.s32 s11, $0x4080  }
.Ltmp4:
0x96: {  	s12 =	sshra.s32 s11, $0x2;
	(pc) =	sbr.rel @p1 .LBB2_10-.Ltmp4, $4  }
0x97: {  	s11 =	sadd.s32 $0x80, s11;
	v9 =	vmax.f32 v5, v7;
	v5 =	vld [tilespmem:s12+$0x5110]  }
0x98: {  	v7 =	vld [tilespmem:s12+$0x5118];
	[tilespmem:s10+$0x6190] =	vst v9  }
0x99: {  	v9 =	vmax.f32 v6, v8;
	v6 =	vld [tilespmem:s12+$0x5100]  }
0x9a: {  	v8 =	vld [tilespmem:s12+$0x5108];
	[tilespmem:s10+$0x6180] =	vst v9;
	s10 =	smov.u32 s12  }
0x9b: {  	_ =	sdelay $0x2  }
0x9c: {  	v5 =	vmax.f32 v5, v7  }
0x9d: {  	[tilespmem:s10+$0x6190] =	vst v5;
	v5 =	vmax.f32 v6, v8  }
0x9e: {  	[tilespmem:s10+$0x6180] =	vst v5;
	s10 =	simm.s32 $0x0  }
0x9f: {  	v5 =	vld [tilespmem:s10+$0x6190]  }
0xa0: {  	v6 =	vld [tilespmem:s10+$0x5120];
	_ =	sdelay $0x3  }
0xa1: {  	v7 =	vld [tilespmem:s10+$0x6180]  }
0xa2: {  	v8 =	vld [tilespmem:s10+$0x5110];
	v5 =	vmax.f32 v5, v6  }
0xa3: {  	v6 =	vadd.f32 $2.000000000e+00, v5;
	_ =	sdelay $0x1  }
0xa4: {  	v6 =	vmul.f32 $1.600000000e+01, v6;
	_ =	sdelay $0x1  }
0xa5: {  	v7 =	vmax.f32 v7, v8;
	v6 =	vmax.f32 v6, $-1.000000000e+00  }
0xa6: {  	v8 =	vadd.f32 $2.000000000e+00, v7;
	v6 =	vmin.f32 v6, $6.400000000e+01  }
0xa7: {  	s11 =	simm.s32 $0x20;
	v6 =	vadd.f32 $1.000000000e+00, v6  }
0xa8: {  	v9 =	vld [tilespmem:s11+$0x6190];
	v8 =	vmul.f32 $1.600000000e+01, v8  }
0xa9: {  	v10 =	vld [tilespmem:s11+$0x5120];
	v6 =	vtrunc.f32 v6  }
0xaa: {  	v12 =	vld [tilespmem:s11+$0x6180];
	v8 =	vmax.f32 v8, $-1.000000000e+00;
	v6 =	vcvt.f32.s32 v6  }
0xab: {  	v14 =	vld [tilespmem:s11+$0x5110];
	v8 =	vmin.f32 v8, $6.400000000e+01  }
0xac: {  	v8 =	vadd.f32 $1.000000000e+00, v8;
	v11 =	vadd.s32 $0xFFFFFFFF, v6;
	v6 =	vcvt.s32.f32 v6  }
0xad: {  	v13 =	vcvt.s32.f32 v11  }
0xae: {  	v8 =	vtrunc.f32 v8;
	v6 =	vmul.f32 $6.250000000e-02, v6  }
0xaf: {  	v8 =	vcvt.f32.s32 v8;
	v13 =	vmul.f32 $6.250000000e-02, v13  }
0xb0: {  	v9 =	vmax.f32 v9, v10;
	v12 =	vmax.f32 v12, v14;
	v6 =	vadd.f32 $-2.000000000e+00, v6  }
0xb1: {  	v15 =	vadd.s32 $0xFFFFFFFF, v8;
	v8 =	vcvt.s32.f32 v8;
	v10 =	vadd.f32 $-2.000000000e+00, v13  }
0xb2: {  	v16 =	vcvt.s32.f32 v15;
	v13 =	vadd.f32 $2.000000000e+00, v9;
	vm0 =	vge.f32 v5, v6  }
0xb3: {  	v8 =	vmul.f32 $6.250000000e-02, v8;
	vm1 =	vlt.f32 v5, v10;
	v5 =	vsel vm0, $0x1, v4  }
0xb4: {  	v6 =	vmul.f32 $1.600000000e+01, v13;
	v10 =	vsel vm1, $0xFFFFFFFF, v4;
	v5 =	vadd.s32 v5, v11  }
0xb5: {  	v16 =	vmul.f32 $6.250000000e-02, v16;
	v11 =	vadd.f32 $2.000000000e+00, v12;
	v5 =	vadd.s32 v10, v5  }
0xb6: {  	v8 =	vadd.f32 $-2.000000000e+00, v8;
	v6 =	vmax.f32 v6, $-1.000000000e+00;
	v10 =	vshra.s32 v5, $0x1F  }
0xb7: {  	v11 =	vmul.f32 $1.600000000e+01, v11;
	v6 =	vmin.f32 v6, $6.400000000e+01;
	v5 =	vor.u32 v10, v5  }
0xb8: {  	v13 =	vadd.f32 $-2.000000000e+00, v16;
	v6 =	vadd.f32 $1.000000000e+00, v6;
	vm1 =	vlt.s32 v5, $0x3F  }
0xb9: {  	vm0 =	vge.f32 v7, v8;
	v8 =	vmax.f32 v11, $-1.000000000e+00;
	v5 =	vnsel vm1, $0x3F, v5  }
0xba: {  	s12 =	simm.s32 $0x40;
	v8 =	vmin.f32 v8, $6.400000000e+01;
	v6 =	vtrunc.f32 v6;
	vm1 =	vlt.f32 v7, v13;
	[tilespmem:s10+$0x7210] =	vst v5  }
0xbb: {  	v7 =	vsel vm0, $0x1, v4;
	v5 =	vadd.f32 $1.000000000e+00, v8;
	v6 =	vcvt.f32.s32 v6;
	v10 =	vld [tilespmem:s12+$0x6190]  }
0xbc: {  	v8 =	vsel vm1, $0xFFFFFFFF, v4;
	v7 =	vadd.s32 v7, v15;
	v11 =	vld [tilespmem:s12+$0x5120]  }
0xbd: {  	v14 =	vld [tilespmem:s12+$0x6180];
	v5 =	vtrunc.f32 v5;
	v13 =	vadd.s32 $0xFFFFFFFF, v6;
	v6 =	vcvt.s32.f32 v6  }
0xbe: {  	v7 =	vadd.s32 v8, v7;
	v8 =	vld [tilespmem:s12+$0x5110];
	v5 =	vcvt.f32.s32 v5;
	v15 =	vcvt.s32.f32 v13  }
0xbf: {  	v62 =	vshra.s32 v7, $0x1F  }
0xc0: {  	v6 =	vmul.f32 $6.250000000e-02, v6;
	v17 =	vadd.s32 $0xFFFFFFFF, v5;
	v15 =	vmul.f32 $6.250000000e-02, v15  }
0xc1: {  	v7 =	vor.u32 v62, v7;
	v5 =	vcvt.s32.f32 v5;
	v18 =	vcvt.s32.f32 v17  }
0xc2: {  	v19 =	vadd.f32 $-2.000000000e+00, v6;
	v6 =	vmax.f32 v10, v11;
	v10 =	vadd.f32 $-2.000000000e+00, v15  }
0xc3: {  	v11 =	vmul.f32 $6.250000000e-02, v5;
	v15 =	vadd.f32 $2.000000000e+00, v6;
	v5 =	vmax.f32 v14, v8  }
0xc4: {  	v63 =	vmul.f32 $6.250000000e-02, v18;
	vm0 =	vge.f32 v9, v19;
	vm1 =	vlt.f32 v9, v10  }
0xc5: {  	v8 =	vsel vm0, $0x1, v4;
	v9 =	vmul.f32 $1.600000000e+01, v15;
	v11 =	vadd.f32 $-2.000000000e+00, v11  }
0xc6: {  	v10 =	vsel vm1, $0xFFFFFFFF, v4;
	v8 =	vadd.s32 v8, v13;
	v13 =	vadd.f32 $2.000000000e+00, v5  }
0xc7: {  	v8 =	vadd.s32 v10, v8;
	v9 =	vmax.f32 v9, $-1.000000000e+00;
	v10 =	vadd.f32 $-2.000000000e+00, v63  }
0xc8: {  	v14 =	vshra.s32 v8, $0x1F;
	v13 =	vmul.f32 $1.600000000e+01, v13;
	v9 =	vmin.f32 v9, $6.400000000e+01  }
0xc9: {  	vm0 =	vge.f32 v12, v11;
	v8 =	vor.u32 v14, v8;
	v9 =	vadd.f32 $1.000000000e+00, v9  }
0xca: {  	vm2 =	vlt.f32 v12, v10;
	vm1 =	vlt.s32 v8, $0x3F;
	v11 =	vmax.f32 v13, $-1.000000000e+00  }
0xcb: {  	v8 =	vnsel vm1, $0x3F, v8;
	v10 =	vmin.f32 v11, $6.400000000e+01;
	v9 =	vtrunc.f32 v9  }
0xcc: {  	s13 =	simm.s32 $0x60;
	v11 =	vsel vm0, $0x1, v4;
	[tilespmem:s11+$0x7210] =	vst v8;
	v12 =	vadd.f32 $1.000000000e+00, v10;
	v10 =	vcvt.f32.s32 v9  }
0xcd: {  	s14 =	simm.s32 $0x200;
	vm0 =	vlt.s32 v7, $0x3F;
	v9 =	vsel vm2, $0xFFFFFFFF, v4;
	v11 =	vadd.s32 v11, v17;
	v8 =	vld [tilespmem:s13+$0x6190]  }
.LBB2_12:
0xce: {  	p1 =	sne.s32 s14, $0x3F80;
	v13 =	vld [tilespmem:s13+$0x5120];
	v12 =	vtrunc.f32 v12;
	v14 =	vadd.s32 $0xFFFFFFFF, v10;
	v10 =	vcvt.s32.f32 v10  }
0xcf: {  	v9 =	vadd.s32 v9, v11;
	v15 =	vld [tilespmem:s13+$0x6180];
	v12 =	vcvt.f32.s32 v12;
	v16 =	vcvt.s32.f32 v14  }
0xd0: {  	v7 =	vnsel vm0, $0x3F, v7;
	v17 =	vshra.s32 v9, $0x1F;
	v11 =	vld [tilespmem:s13+$0x5110];
	v10 =	vmul.f32 $6.250000000e-02, v10  }
0xd1: {  	v18 =	vadd.s32 $0xFFFFFFFF, v12;
	v12 =	vcvt.s32.f32 v12;
	v16 =	vmul.f32 $6.250000000e-02, v16;
	[tilespmem:s10+$0x7200] =	vst v7;
	s10 =	smov.u32 s11;
	s11 =	smov.u32 s12;
	s12 =	smov.u32 s13  }
0xd2: {  	v7 =	vor.u32 v17, v9;
	v19 =	vcvt.s32.f32 v18;
	v10 =	vadd.f32 $-2.000000000e+00, v10  }
0xd3: {  	v8 =	vmax.f32 v8, v13;
	v9 =	vmul.f32 $6.250000000e-02, v12;
	v12 =	vadd.f32 $-2.000000000e+00, v16  }
0xd4: {  	v13 =	vadd.f32 $2.000000000e+00, v8;
	v16 =	vmul.f32 $6.250000000e-02, v19;
	vm0 =	vge.f32 v6, v10  }
0xd5: {  	v10 =	vmax.f32 v15, v11;
	vm1 =	vlt.f32 v6, v12;
	v11 =	vsel vm0, $0x1, v4;
	v6 =	vmovc v8  }
0xd6: {  	v8 =	vmul.f32 $1.600000000e+01, v13;
	v12 =	vsel vm1, $0xFFFFFFFF, v4;
	v11 =	vadd.s32 v11, v14  }
0xd7: {  	v9 =	vadd.f32 $-2.000000000e+00, v9;
	v13 =	vadd.f32 $2.000000000e+00, v10;
	v11 =	vadd.s32 v12, v11  }
0xd8: {  	v12 =	vadd.f32 $-2.000000000e+00, v16;
	v8 =	vmax.f32 v8, $-1.000000000e+00;
	v14 =	vshra.s32 v11, $0x1F  }
0xd9: {  	v13 =	vmul.f32 $1.600000000e+01, v13;
	v8 =	vmin.f32 v8, $6.400000000e+01;
	v11 =	vor.u32 v14, v11  }
.Ltmp5:
0xda: {  	vm0 =	vge.f32 v5, v9;
	v8 =	vadd.f32 $1.000000000e+00, v8;
	vm1 =	vlt.s32 v11, $0x3F;
	(pc) =	sbr.rel @p1 .LBB2_12-.Ltmp5, $4  }
0xdb: {  	vm2 =	vlt.f32 v5, v12;
	v5 =	vmovc v10;
	v9 =	vmax.f32 v13, $-1.000000000e+00;
	v11 =	vnsel vm1, $0x3F, v11  }
0xdc: {  	v13 =	vsel vm0, $0x1, v4;
	v9 =	vmin.f32 v9, $6.400000000e+01;
	v8 =	vtrunc.f32 v8;
	[tilespmem:s11+$0x7210] =	vst v11  }
0xdd: {  	s13 =	sshra.s32 s14, $0x2;
	v12 =	vadd.f32 $1.000000000e+00, v9;
	v9 =	vsel vm2, $0xFFFFFFFF, v4;
	v10 =	vcvt.f32.s32 v8  }
0xde: {  	s14 =	sadd.s32 $0x80, s14;
	vm0 =	vlt.s32 v7, $0x3F;
	v11 =	vadd.s32 v13, v18;
	v8 =	vld [tilespmem:s13+$0x6190]  }
0xdf: {  	v13 =	vld [tilespmem:s13+$0x5120]  }
0xe0: {  	v12 =	vtrunc.f32 v12;
	v14 =	vcvt.s32.f32 v10;
	v15 =	vld [tilespmem:s13+$0x6180];
	v41 =	vadd.s32 $0xFFFFFFFF, v10  }
0xe1: {  	v9 =	vadd.s32 v9, v11;
	v42 =	vld [tilespmem:s13+$0x5110];
	v7 =	vnsel vm0, $0x3F, v7;
	v12 =	vcvt.f32.s32 v12  }
0xe2: {  	v16 =	vcvt.s32.f32 v41;
	v17 =	vshra.s32 v9, $0x1F;
	v14 =	vmul.f32 $6.250000000e-02, v14  }
0xe3: {  	v9 =	vor.u32 v17, v9;
	v18 =	vadd.s32 $0xFFFFFFFF, v12;
	v12 =	vcvt.s32.f32 v12  }
0xe4: {  	v16 =	vmul.f32 $6.250000000e-02, v16;
	vm8 =	vlt.s32 v9, $0x3F;
	v8 =	vmax.f32 v8, v13  }
0xe5: {  	v43 =	vcvt.s32.f32 v18;
	v14 =	vadd.f32 $-2.000000000e+00, v14;
	v44 =	vadd.f32 $2.000000000e+00, v8  }
0xe6: {  	v12 =	vmul.f32 $6.250000000e-02, v12;
	v16 =	vadd.f32 $-2.000000000e+00, v16;
	v11 =	vmax.f32 v15, v42  }
0xe7: {  	vm5 =	vge.f32 v6, v14;
	v15 =	vadd.f32 $2.000000000e+00, v11;
	v45 =	vmul.f32 $1.600000000e+01, v44  }
0xe8: {  	v13 =	vmul.f32 $6.250000000e-02, v43;
	vm1 =	vlt.f32 v6, v16;
	v6 =	vsel vm5, $0x1, v4  }
0xe9: {  	v46 =	vadd.f32 $-2.000000000e+00, v12;
	v15 =	vmul.f32 $1.600000000e+01, v15;
	v14 =	vmax.f32 v45, $-1.000000000e+00  }
0xea: {  	v16 =	vsel vm1, $0xFFFFFFFF, v4;
	v6 =	vadd.s32 v6, v41;
	v47 =	vmin.f32 v14, $6.400000000e+01  }
0xeb: {  	v6 =	vadd.s32 v16, v6;
	v48 =	vmax.f32 v15, $-1.000000000e+00;
	v12 =	vadd.f32 $1.000000000e+00, v47  }
0xec: {  	v13 =	vadd.f32 $-2.000000000e+00, v13;
	v49 =	vshra.s32 v6, $0x1F;
	v14 =	vmin.f32 v48, $6.400000000e+01  }
0xed: {  	v6 =	vor.u32 v49, v6;
	v14 =	vadd.f32 $1.000000000e+00, v14;
	v12 =	vtrunc.f32 v12  }
0xee: {  	vm6 =	vge.f32 v5, v46;
	vm7 =	vlt.s32 v6, $0x3F;
	v50 =	vcvt.f32.s32 v12  }
0xef: {  	vm2 =	vlt.f32 v5, v13;
	v5 =	vnsel vm7, $0x3F, v6;
	v6 =	vtrunc.f32 v14  }
0xf0: {  	v6 =	vcvt.f32.s32 v6;
	v12 =	vadd.s32 $0xFFFFFFFF, v50;
	v10 =	vcvt.s32.f32 v50  }
0xf1: {  	[tilespmem:s10+$0x7200] =	vst v7;
	v7 =	vnsel vm8, $0x3F, v9;
	v53 =	vcvt.s32.f32 v12  }
0xf2: {  	v54 =	vadd.s32 $0xFFFFFFFF, v6;
	v6 =	vcvt.s32.f32 v6;
	v10 =	vmul.f32 $6.250000000e-02, v10  }
0xf3: {  	v51 =	vsel vm6, $0x1, v4;
	v55 =	vcvt.s32.f32 v54;
	v15 =	vmul.f32 $6.250000000e-02, v53  }
0xf4: {  	v52 =	vsel vm2, $0xFFFFFFFF, v4;
	v6 =	vmul.f32 $6.250000000e-02, v6;
	v10 =	vadd.f32 $-2.000000000e+00, v10  }
0xf5: {  	v13 =	vadd.s32 v51, v18;
	v57 =	vmul.f32 $6.250000000e-02, v55;
	v56 =	vadd.f32 $-2.000000000e+00, v15  }
0xf6: {  	v13 =	vadd.s32 v52, v13;
	v6 =	vadd.f32 $-2.000000000e+00, v6;
	vm9 =	vge.f32 v8, v10  }
0xf7: {  	v60 =	vadd.f32 $-2.000000000e+00, v57;
	vm10 =	vlt.f32 v8, v56;
	v59 =	vsel vm9, $0x1, v4  }
0xf8: {  	vm11 =	vge.f32 v11, v6;
	v14 =	vsel vm10, $0xFFFFFFFF, v4;
	v8 =	vadd.s32 v59, v12  }
0xf9: {  	vm12 =	vlt.f32 v11, v60;
	v61 =	vsel vm11, $0x1, v4;
	v6 =	vadd.s32 v14, v8  }
0xfa: {  	v11 =	vsel vm12, $0xFFFFFFFF, v4;
	v8 =	vadd.s32 v61, v54;
	v62 =	vshra.s32 v6, $0x1F  }
0xfb: {  	v58 =	vshra.s32 v13, $0x1F;
	v8 =	vadd.s32 v11, v8;
	v6 =	vor.u32 v62, v6  }
0xfc: {  	[tilespmem:s12+$0x7210] =	vst v5;
	v5 =	vor.u32 v58, v13;
	v63 =	vshra.s32 v8, $0x1F;
	vm13 =	vlt.s32 v6, $0x3F  }
0xfd: {  	[tilespmem:s11+$0x7200] =	vst v7;
	vm14 =	vlt.s32 v5, $0x3F;
	v7 =	vor.u32 v63, v8;
	v6 =	vnsel vm13, $0x3F, v6  }
0xfe: {  	s9 =	sadd.s32 $0x1, s9;
	v5 =	vnsel vm14, $0x3F, v5;
	vm15 =	vlt.s32 v7, $0x3F;
	[tilespmem:s13+$0x7210] =	vst v6  }
0xff: {  	p1 =	sne.s32 s9, s6;
	[tilespmem:s12+$0x7200] =	vst v5;
	v5 =	vnsel vm15, $0x3F, v7  }
.Ltmp6:
0x100: {  	[tilespmem:s13+$0x7200] =	vst v5;
	(pc) =	sbr.rel @p1 .LBB2_1-.Ltmp6, $4  }
0x101: {  	[hbm4b:s5+s2] =	stream.linear.scatter [tilespmem:s7], [sflag:$0x1], $0x1000, $0x38;
	[tilespmem:$0x8200] =	vst v63  }
0x102: {  	_ =	swait.ge [sflag:s8], $0x1000  }
0x103: {  	[sflag:s8] =	ssyncset.done $0x0  }
0x104: {  	[sflag:s8] =	ssyncadd.s32 $0xFFFFF000  }
0x105: {  	_ =	sfence.sel $0x180000  }
0x106: {  	[bflag:$0x0] =	sbarrier.arrive $0xFFFF  }
0x107: {  	p0 =	sne.s32 s1, $0x0;
	_ =	strace $0x9000004A  }
0x108: {  	s0 =	sadd.s32 @!p0 $0x100000, s0;
	[bflag:$0x2] =	sbarrier.arrive $0xFFFF  }
0x109: {  	[sflag:s0] =	ssyncadd.tile.s32 @!p0 $0x1;
	_ =	shalt  }
.Lfunc_end2:
_tile_overlayer_lowered:
.L_overlay_start_2:
0x10a: {  	(tag) =	ssettag $0x2  }
0x10b: {  	s0 =	rddreg [dreg:$0x0];
	s2 =	stileid.u32  }
0x10c: {  	s1 =	rddreg [dreg:$0x1];
	p0 =	sne.s32 s2, $0x0  }
0x10d: {  	s3 =	rddreg [dreg:$0x2];
	[bflag:$0x3] =	sbarrier.arrive $0xFFFF;
	s2 =	simm.s32 @!p0 $0x1C01  }
0x10e: {  	[timem:s3], [sflag:s2] =	dma.local @!p0 [hbm:s0], s1  }
0x10f: {  	s0 =	simm.s32 @!p0 $0x1  }
0x110: {  	_ =	swait.ge @!p0 [sflag:s0], s1  }
0x111: {  	s1 =	ssub.s32 @!p0 $0x0, s1;
	[sflag:s0] =	ssyncset.done @!p0 $0x0  }
0x112: {  	[sflag:s0] =	ssyncadd.s32 @!p0 s1  }
0x113: {  	[bflag:$0x3] =	sbarrier.arrive $0xFFFF  }
0x114: {  	_ =	shalt  }

</sc_bundles>
